<compile_context>
chip_gen: v7x
topology: tpu7x:2x2x1
jax: 0.10.2.dev20260603
libtpu: 0.0.44.dev20260713+nightly
codegen_flags: <defaults>
</compile_context>

<pallas_src>
import jax
import jax.numpy as jnp
from jax import lax
from jax.experimental import pallas as pl
from jax.experimental.pallas import tpu as pltpu
from jax.experimental.pallas import tpu_sc as plsc

B = 8
NSIDE_IN = 512
N_IN = 12 * NSIDE_IN * NSIDE_IN
N_OUT = N_IN // 4

NUM_CORES = 2
NUM_SUBCORES = 16
NW = NUM_CORES * NUM_SUBCORES
WPR = NW // B
OUT_PER_W = N_OUT // WPR
IN_PER_W = OUT_PER_W * 4

CHUNK_OUT = 8192
CHUNK_IN = CHUNK_OUT * 4
NBUF = 3
N_CHUNKS = OUT_PER_W // CHUNK_OUT
UNROLL = 8
PAD = 64


def _sc_body(x_hbm, out_hbm, in_v0, in_v1, in_v2,
             out_v0, out_v1, out_v2,
             si0, si1, si2, so0, so1, so2):
    wid = lax.axis_index("s") * NUM_CORES + lax.axis_index("c")
    row = wid // WPR
    in_col = (wid % WPR) * IN_PER_W
    out_col = (wid % WPR) * OUT_PER_W
    iota = lax.iota(jnp.int32, 16)
    idx = [iota * 4 + k for k in range(4)]
    in_bufs = [in_v0, in_v1, in_v2]
    out_bufs = [out_v0, out_v1, out_v2]
    sin = [si0, si1, si2]
    sout = [so0, so1, so2]

    def start_in(g, b):
        pltpu.async_copy(
            x_hbm.at[row, pl.ds(in_col + g * CHUNK_IN, CHUNK_IN)],
            in_bufs[b].at[pl.ds(0, CHUNK_IN)], sin[b])

    for b in range(NBUF):
        start_in(b, b)

    def chunk_group(t, carry):
        for b in range(NBUF):
            g = t * NBUF + b
            pltpu.make_async_copy(
                x_hbm.at[0, pl.ds(0, CHUNK_IN)],
                in_bufs[b].at[pl.ds(0, CHUNK_IN)], sin[b]).wait()

            @pl.when(t > 0)
            def _():
                pltpu.make_async_copy(
                    out_bufs[b], out_hbm.at[0, pl.ds(0, CHUNK_OUT)],
                    sout[b]).wait()

            def load4(o):
                src = in_bufs[b].at[pl.ds(o, 64)]
                return (plsc.load_gather(src, [idx[0]]),
                        plsc.load_gather(src, [idx[1]]),
                        plsc.load_gather(src, [idx[2]]),
                        plsc.load_gather(src, [idx[3]]))

            def vec_body(jj, carry2):
                va, vb, vc, vd = carry2
                base = jj * (64 * UNROLL)
                for u in range(UNROLL):
                    na, nb, nc, nd = load4(base + (u + 1) * 64)
                    out_bufs[b][pl.ds(jj * (16 * UNROLL) + u * 16, 16)] = (
                        jnp.maximum(jnp.maximum(va, vb),
                                    jnp.maximum(vc, vd)))
                    va, vb, vc, vd = na, nb, nc, nd
                return va, vb, vc, vd

            lax.fori_loop(0, CHUNK_OUT // (16 * UNROLL), vec_body, load4(0))

            @pl.when(t < (N_CHUNKS // NBUF - 1))
            def _():
                start_in(g + NBUF, b)

            pltpu.async_copy(
                out_bufs[b],
                out_hbm.at[row, pl.ds(out_col + g * CHUNK_OUT, CHUNK_OUT)],
                sout[b])
        return carry

    lax.fori_loop(0, N_CHUNKS // NBUF, chunk_group, 0)

    for b in range(NBUF):
        pltpu.make_async_copy(
            out_bufs[b], out_hbm.at[0, pl.ds(0, CHUNK_OUT)], sout[b]).wait()


def kernel(x):
    mesh = plsc.VectorSubcoreMesh(core_axis_name="c", subcore_axis_name="s")
    return pl.kernel(
        _sc_body,
        mesh=mesh,
        compiler_params=pltpu.CompilerParams(needs_layout_passes=False),
        out_type=jax.ShapeDtypeStruct((B, N_OUT), jnp.float32),
        scratch_types=(
            [pltpu.VMEM((CHUNK_IN + PAD,), jnp.float32)] * NBUF
            + [pltpu.VMEM((CHUNK_OUT,), jnp.float32)] * NBUF
            + [pltpu.SemaphoreType.DMA] * (2 * NBUF)
        ),
    )(x)

# --- scband reference (transcript-rebuilt; emitter-appended) ---
"""Pipeline reference for scband-sphere-down-geo-67319317397977 (READ-ONLY COPY).

The authoritative reference and input builder live on the scoring server;
editing this copy changes nothing except your own understanding.
"""

import jax, jax.numpy as jnp
import numpy as np

NSIDE_IN = 512
N_IN = 12 * NSIDE_IN * NSIDE_IN
NSIDE_OUT = NSIDE_IN // 2
N_OUT = 12 * NSIDE_OUT * NSIDE_OUT
B = 8


def setup_inputs(seed: int = 0) -> dict:
    key = jax.random.key(seed)
    x = jax.random.normal(key, (B, N_IN), dtype=jnp.float32)
    return {"x": x}


def reference(x):
    # SphereDownGeo with mode='maxpool', full sky (cell_ids_out = arange(N_OUT)),
    # no input subset. In NESTED HEALPix indexing the 4 children of coarse
    # pixel k are fine pixels 4k, 4k+1, 4k+2, 4k+3.
    cell_ids_out = jnp.arange(N_OUT, dtype=jnp.int64)
    # children_full: [K_out, 4], same construction as torch buffer
    children = (4 * cell_ids_out)[:, None] + jnp.arange(4, dtype=jnp.int64)[None, :]
    # gather fine-pixel values for each coarse pixel's children and max-pool
    gathered = jnp.take(x, children.reshape(-1), axis=-1)
    gathered = gathered.reshape(x.shape[0], N_OUT, 4)
    y = jnp.max(gathered, axis=-1)
    return y

if __name__ == "__main__":
    import jax
    _d = setup_inputs()
    print(jax.jit(kernel)(*tuple(_d.values())))

</pallas_src>

<mosaic_0001>
#map = affine_map<(d0, d1) -> (0, 0)>
module attributes {stable_mosaic.version = 14 : i64} {
  func.func @_sc_body(%arg0: i32, %arg1: i32, %arg2: memref<8x3145728xf32, #tpu.memory_space<hbm>>, %arg3: memref<8x786432xf32, #tpu.memory_space<hbm>>, %arg4: memref<32832xf32, #tpu.memory_space<vmem>>, %arg5: memref<32832xf32, #tpu.memory_space<vmem>>, %arg6: memref<32832xf32, #tpu.memory_space<vmem>>, %arg7: memref<8192xf32, #tpu.memory_space<vmem>>, %arg8: memref<8192xf32, #tpu.memory_space<vmem>>, %arg9: memref<8192xf32, #tpu.memory_space<vmem>>, %arg10: memref<!tpu.dma_semaphore, #tpu.memory_space<semaphore_mem>>, %arg11: memref<!tpu.dma_semaphore, #tpu.memory_space<semaphore_mem>>, %arg12: memref<!tpu.dma_semaphore, #tpu.memory_space<semaphore_mem>>, %arg13: memref<!tpu.dma_semaphore, #tpu.memory_space<semaphore_mem>>, %arg14: memref<!tpu.dma_semaphore, #tpu.memory_space<semaphore_mem>>, %arg15: memref<!tpu.dma_semaphore, #tpu.memory_space<semaphore_mem>>) attributes {dimension_semantics = [#tpu.dimension_semantics<core_parallel>, #tpu.dimension_semantics<subcore_parallel>], iteration_bounds = array<i64: 2, 16>, scalar_prefetch = 0 : i64, scratch_operands = 12 : i64, tpu.core_type = #tpu.core_type<sc_vector_subcore>, window_params = [{transform_indices = #map}, {transform_indices = #map}]} {
    %mul3A = arith.constant 2 : i32
    %mul3A_0 = arith.muli %arg1, %mul3A : i32
    %add3A = arith.addi %mul3A_0, %arg0 : i32
    %jit3A = arith.constant 4 : i32
    %div3A = arith.divsi %add3A, %jit3A : i32
    %sign3A = arith.constant 0 : i32
    %sign3A_1 = arith.cmpi sgt, %add3A, %sign3A : i32
    %sign3A_2 = arith.extui %sign3A_1 : i1 to i32
    %sign3A_3 = arith.constant 0 : i32
    %sign3A_4 = arith.cmpi slt, %add3A, %sign3A_3 : i32
    %sign3A_5 = arith.extui %sign3A_4 : i1 to i32
    %sign3A_6 = arith.subi %sign3A_2, %sign3A_5 : i32
    %sign3A_7 = arith.constant 0 : i32
    %sign3A_8 = arith.cmpi sgt, %jit3A, %sign3A_7 : i32
    %sign3A_9 = arith.extui %sign3A_8 : i1 to i32
    %sign3A_10 = arith.constant 0 : i32
    %sign3A_11 = arith.cmpi slt, %jit3A, %sign3A_10 : i32
    %sign3A_12 = arith.extui %sign3A_11 : i1 to i32
    %sign3A_13 = arith.subi %sign3A_9, %sign3A_12 : i32
    %ne3A = arith.cmpi ne, %sign3A_6, %sign3A_13 : i32
    %rem3A = arith.remsi %add3A, %jit3A : i32
    %ne3A_14 = arith.constant 0 : i32
    %ne3A_15 = arith.cmpi ne, %rem3A, %ne3A_14 : i32
    %and3A = arith.andi %ne3A, %ne3A_15 : i1
    %sub3A = arith.constant 1 : i32
    %sub3A_16 = arith.subi %div3A, %sub3A : i32
    %select_n3A = arith.select %and3A, %sub3A_16, %div3A : i32
    %jit3A_17 = arith.constant 4 : i32
    %eq3A = arith.constant 0 : i32
    %eq3A_18 = arith.cmpi eq, %jit3A_17, %eq3A : i32
    %jit3A_19 = arith.constant 1 : i32
    %select_n3A_20 = arith.select %eq3A_18, %jit3A_19, %jit3A_17 : i32
    %rem3A_21 = arith.remsi %add3A, %select_n3A_20 : i32
    %ne3A_22 = arith.constant 0 : i32
    %ne3A_23 = arith.cmpi ne, %rem3A_21, %ne3A_22 : i32
    %lt3A = arith.constant 0 : i32
    %lt3A_24 = arith.cmpi slt, %rem3A_21, %lt3A : i32
    %lt3A_25 = arith.constant 0 : i32
    %lt3A_26 = arith.cmpi slt, %select_n3A_20, %lt3A_25 : i32
    %ne3A_27 = arith.xori %lt3A_24, %lt3A_26 : i1
    %and3A_28 = arith.andi %ne3A_27, %ne3A_23 : i1
    %add3A_29 = arith.addi %rem3A_21, %select_n3A_20 : i32
    %select_n3A_30 = arith.select %and3A_28, %add3A_29, %rem3A_21 : i32
    %mul3A_31 = arith.constant 786432 : i32
    %mul3A_32 = arith.muli %select_n3A_30, %mul3A_31 : i32
    %jit3A_33 = arith.constant 4 : i32
    %eq3A_34 = arith.constant 0 : i32
    %eq3A_35 = arith.cmpi eq, %jit3A_33, %eq3A_34 : i32
    %jit3A_36 = arith.constant 1 : i32
    %select_n3A_37 = arith.select %eq3A_35, %jit3A_36, %jit3A_33 : i32
    %rem3A_38 = arith.remsi %add3A, %select_n3A_37 : i32
    %ne3A_39 = arith.constant 0 : i32
    %ne3A_40 = arith.cmpi ne, %rem3A_38, %ne3A_39 : i32
    %lt3A_41 = arith.constant 0 : i32
    %lt3A_42 = arith.cmpi slt, %rem3A_38, %lt3A_41 : i32
    %lt3A_43 = arith.constant 0 : i32
    %lt3A_44 = arith.cmpi slt, %select_n3A_37, %lt3A_43 : i32
    %ne3A_45 = arith.xori %lt3A_42, %lt3A_44 : i1
    %and3A_46 = arith.andi %ne3A_45, %ne3A_40 : i1
    %add3A_47 = arith.addi %rem3A_38, %select_n3A_37 : i32
    %select_n3A_48 = arith.select %and3A_46, %add3A_47, %rem3A_38 : i32
    %mul3A_49 = arith.constant 196608 : i32
    %mul3A_50 = arith.muli %select_n3A_48, %mul3A_49 : i32
    %iota3A = tpu.iota {dimensions = array<i32: 0>} : vector<16xi32>
    %mul3A_51 = arith.constant 4 : i32
    %mul3A_52 = vector.broadcast %mul3A_51 : i32 to vector<16xi32>
    %mul3A_53 = arith.muli %iota3A, %mul3A_52 : vector<16xi32>
    %add3A_54 = arith.constant 0 : i32
    %add3A_55 = vector.broadcast %add3A_54 : i32 to vector<16xi32>
    %add3A_56 = arith.addi %mul3A_53, %add3A_55 : vector<16xi32>
    %mul3A_57 = arith.constant 4 : i32
    %mul3A_58 = vector.broadcast %mul3A_57 : i32 to vector<16xi32>
    %mul3A_59 = arith.muli %iota3A, %mul3A_58 : vector<16xi32>
    %add3A_60 = arith.constant 1 : i32
    %add3A_61 = vector.broadcast %add3A_60 : i32 to vector<16xi32>
    %add3A_62 = arith.addi %mul3A_59, %add3A_61 : vector<16xi32>
    %mul3A_63 = arith.constant 4 : i32
    %mul3A_64 = vector.broadcast %mul3A_63 : i32 to vector<16xi32>
    %mul3A_65 = arith.muli %iota3A, %mul3A_64 : vector<16xi32>
    %add3A_66 = arith.constant 2 : i32
    %add3A_67 = vector.broadcast %add3A_66 : i32 to vector<16xi32>
    %add3A_68 = arith.addi %mul3A_65, %add3A_67 : vector<16xi32>
    %mul3A_69 = arith.constant 4 : i32
    %mul3A_70 = vector.broadcast %mul3A_69 : i32 to vector<16xi32>
    %mul3A_71 = arith.muli %iota3A, %mul3A_70 : vector<16xi32>
    %add3A_72 = arith.constant 3 : i32
    %add3A_73 = vector.broadcast %add3A_72 : i32 to vector<16xi32>
    %add3A_74 = arith.addi %mul3A_71, %add3A_73 : vector<16xi32>
    %add3A_75 = arith.constant 0 : i32
    %add3A_76 = arith.addi %mul3A_32, %add3A_75 : i32
    %dma_start3A = arith.constant 0 : i32
    %dma_start3A_77 = tpu.memref_slice %arg4[%dma_start3A] : memref<32832xf32, #tpu.memory_space<vmem>> -> memref<32768xf32, #tpu.memory_space<vmem>>
    %dma_start3A_78 = tpu.memref_slice %arg2[%select_n3A, %add3A_76] : memref<8x3145728xf32, #tpu.memory_space<hbm>> -> memref<1x32768xf32, #tpu.memory_space<hbm>>
    %dma_start3A_79 = tpu.memref_squeeze %dma_start3A_78 : memref<1x32768xf32, #tpu.memory_space<hbm>> -> memref<32768xf32, #tpu.memory_space<hbm>>
    %dma_start3A_80 = arith.constant 0 : i32
    %dma_start3A_81 = tpu.memref_slice %arg4[%dma_start3A_80] : memref<32832xf32, #tpu.memory_space<vmem>> -> memref<32768xf32, #tpu.memory_space<vmem>>
    %dma_start3A_82 = tpu.memref_slice %arg2[%select_n3A, %add3A_76] : memref<8x3145728xf32, #tpu.memory_space<hbm>> -> memref<1x32768xf32, #tpu.memory_space<hbm>>
    %dma_start3A_83 = tpu.memref_squeeze %dma_start3A_82 : memref<1x32768xf32, #tpu.memory_space<hbm>> -> memref<32768xf32, #tpu.memory_space<hbm>>
    tpu.enqueue_dma source(%dma_start3A_83 : memref<32768xf32, #tpu.memory_space<hbm>>) target(%dma_start3A_81 : memref<32768xf32, #tpu.memory_space<vmem>>) target_semaphore(%arg10 : memref<!tpu.dma_semaphore, #tpu.memory_space<semaphore_mem>>)
    %add3A_84 = arith.constant 32768 : i32
    %add3A_85 = arith.addi %mul3A_32, %add3A_84 : i32
    %dma_start3A_86 = arith.constant 0 : i32
    %dma_start3A_87 = tpu.memref_slice %arg5[%dma_start3A_86] : memref<32832xf32, #tpu.memory_space<vmem>> -> memref<32768xf32, #tpu.memory_space<vmem>>
    %dma_start3A_88 = tpu.memref_slice %arg2[%select_n3A, %add3A_85] : memref<8x3145728xf32, #tpu.memory_space<hbm>> -> memref<1x32768xf32, #tpu.memory_space<hbm>>
    %dma_start3A_89 = tpu.memref_squeeze %dma_start3A_88 : memref<1x32768xf32, #tpu.memory_space<hbm>> -> memref<32768xf32, #tpu.memory_space<hbm>>
    %dma_start3A_90 = arith.constant 0 : i32
    %dma_start3A_91 = tpu.memref_slice %arg5[%dma_start3A_90] : memref<32832xf32, #tpu.memory_space<vmem>> -> memref<32768xf32, #tpu.memory_space<vmem>>
    %dma_start3A_92 = tpu.memref_slice %arg2[%select_n3A, %add3A_85] : memref<8x3145728xf32, #tpu.memory_space<hbm>> -> memref<1x32768xf32, #tpu.memory_space<hbm>>
    %dma_start3A_93 = tpu.memref_squeeze %dma_start3A_92 : memref<1x32768xf32, #tpu.memory_space<hbm>> -> memref<32768xf32, #tpu.memory_space<hbm>>
    tpu.enqueue_dma source(%dma_start3A_93 : memref<32768xf32, #tpu.memory_space<hbm>>) target(%dma_start3A_91 : memref<32768xf32, #tpu.memory_space<vmem>>) target_semaphore(%arg11 : memref<!tpu.dma_semaphore, #tpu.memory_space<semaphore_mem>>)
    %add3A_94 = arith.constant 65536 : i32
    %add3A_95 = arith.addi %mul3A_32, %add3A_94 : i32
    %dma_start3A_96 = arith.constant 0 : i32
    %dma_start3A_97 = tpu.memref_slice %arg6[%dma_start3A_96] : memref<32832xf32, #tpu.memory_space<vmem>> -> memref<32768xf32, #tpu.memory_space<vmem>>
    %dma_start3A_98 = tpu.memref_slice %arg2[%select_n3A, %add3A_95] : memref<8x3145728xf32, #tpu.memory_space<hbm>> -> memref<1x32768xf32, #tpu.memory_space<hbm>>
    %dma_start3A_99 = tpu.memref_squeeze %dma_start3A_98 : memref<1x32768xf32, #tpu.memory_space<hbm>> -> memref<32768xf32, #tpu.memory_space<hbm>>
    %dma_start3A_100 = arith.constant 0 : i32
    %dma_start3A_101 = tpu.memref_slice %arg6[%dma_start3A_100] : memref<32832xf32, #tpu.memory_space<vmem>> -> memref<32768xf32, #tpu.memory_space<vmem>>
    %dma_start3A_102 = tpu.memref_slice %arg2[%select_n3A, %add3A_95] : memref<8x3145728xf32, #tpu.memory_space<hbm>> -> memref<1x32768xf32, #tpu.memory_space<hbm>>
    %dma_start3A_103 = tpu.memref_squeeze %dma_start3A_102 : memref<1x32768xf32, #tpu.memory_space<hbm>> -> memref<32768xf32, #tpu.memory_space<hbm>>
    tpu.enqueue_dma source(%dma_start3A_103 : memref<32768xf32, #tpu.memory_space<hbm>>) target(%dma_start3A_101 : memref<32768xf32, #tpu.memory_space<vmem>>) target_semaphore(%arg12 : memref<!tpu.dma_semaphore, #tpu.memory_space<semaphore_mem>>)
    %scan3A = arith.constant 0 : i32
    %scan3A_104 = arith.constant 0 : i32
    %scan3A_105 = arith.constant 8 : i32
    %scan3A_106 = arith.addi %scan3A_104, %scan3A_105 : i32
    %scan3A_107 = arith.constant 1 : i32
    scf.for %scan3A_129 = %scan3A_104 to %scan3A_106 step %scan3A_107  : i32 {
      %mul3A_130 = arith.constant 3 : i32
      %mul3A_131 = arith.muli %scan3A_129, %mul3A_130 : i32
      %add3A_132 = arith.constant 0 : i32
      %add3A_133 = arith.addi %mul3A_131, %add3A_132 : i32
      %dma_wait3A_134 = arith.constant 0 : i32
      %dma_wait3A_135 = arith.constant 0 : i32
      %dma_wait3A_136 = tpu.memref_slice %arg4[%dma_wait3A_135] : memref<32832xf32, #tpu.memory_space<vmem>> -> memref<32768xf32, #tpu.memory_space<vmem>>
      %dma_wait3A_137 = arith.constant 0 : i32
      %dma_wait3A_138 = tpu.memref_slice %arg2[%dma_wait3A_134, %dma_wait3A_137] : memref<8x3145728xf32, #tpu.memory_space<hbm>> -> memref<1x32768xf32, #tpu.memory_space<hbm>>
      %dma_wait3A_139 = tpu.memref_squeeze %dma_wait3A_138 : memref<1x32768xf32, #tpu.memory_space<hbm>> -> memref<32768xf32, #tpu.memory_space<hbm>>
      %dma_wait3A_140 = arith.constant 0 : i32
      %dma_wait3A_141 = tpu.memref_slice %arg4[%dma_wait3A_140] : memref<32832xf32, #tpu.memory_space<vmem>> -> memref<32768xf32, #tpu.memory_space<vmem>>
      %dma_wait3A_142 = arith.constant 0 : i32
      %dma_wait3A_143 = tpu.memref_slice %arg2[%dma_wait3A_134, %dma_wait3A_142] : memref<8x3145728xf32, #tpu.memory_space<hbm>> -> memref<1x32768xf32, #tpu.memory_space<hbm>>
      %dma_wait3A_144 = tpu.memref_squeeze %dma_wait3A_143 : memref<1x32768xf32, #tpu.memory_space<hbm>> -> memref<32768xf32, #tpu.memory_space<hbm>>
      tpu.wait_dma2 semaphore(%arg10 : memref<!tpu.dma_semaphore, #tpu.memory_space<semaphore_mem>>) src(%dma_wait3A_144 : memref<32768xf32, #tpu.memory_space<hbm>>) dst(%dma_wait3A_141 : memref<32768xf32, #tpu.memory_space<vmem>>)
      %gt3A = arith.constant 0 : i32
      %gt3A_145 = arith.cmpi sgt, %scan3A_129, %gt3A : i32
      %convert_element_type3A = arith.extui %gt3A_145 : i1 to i32
      %cond3A = arith.constant 0 : i32
      %cond3A_146 = arith.cmpi ne, %convert_element_type3A, %cond3A : i32
      scf.if %cond3A_146 {
        %dma_wait3A_276 = arith.constant 0 : i32
        %dma_wait3A_277 = arith.constant 0 : i32
        %dma_wait3A_278 = tpu.memref_slice %arg3[%dma_wait3A_276, %dma_wait3A_277] : memref<8x786432xf32, #tpu.memory_space<hbm>> -> memref<1x8192xf32, #tpu.memory_space<hbm>>
        %dma_wait3A_279 = tpu.memref_squeeze %dma_wait3A_278 : memref<1x8192xf32, #tpu.memory_space<hbm>> -> memref<8192xf32, #tpu.memory_space<hbm>>
        %dma_wait3A_280 = arith.constant 0 : i32
        %dma_wait3A_281 = tpu.memref_slice %arg3[%dma_wait3A_276, %dma_wait3A_280] : memref<8x786432xf32, #tpu.memory_space<hbm>> -> memref<1x8192xf32, #tpu.memory_space<hbm>>
        %dma_wait3A_282 = tpu.memref_squeeze %dma_wait3A_281 : memref<1x8192xf32, #tpu.memory_space<hbm>> -> memref<8192xf32, #tpu.memory_space<hbm>>
        tpu.wait_dma2 semaphore(%arg13 : memref<!tpu.dma_semaphore, #tpu.memory_space<semaphore_mem>>) src(%arg7 : memref<8192xf32, #tpu.memory_space<vmem>>) dst(%dma_wait3A_282 : memref<8192xf32, #tpu.memory_space<hbm>>)
      } else {
      }
      %gather3A = arith.constant 0 : i32
      %gather3A_147 = tpu.memref_slice %arg4[%gather3A] : memref<32832xf32, #tpu.memory_space<vmem>> -> memref<64xf32, #tpu.memory_space<vmem>>
      %gather3A_148 = tpu.vector_load_idx %gather3A_147[%add3A_56] : memref<64xf32, #tpu.memory_space<vmem>>[vector<16xi32>], vector<16xf32>,
      %gather3A_149 = arith.constant 0 : i32
      %gather3A_150 = tpu.memref_slice %arg4[%gather3A_149] : memref<32832xf32, #tpu.memory_space<vmem>> -> memref<64xf32, #tpu.memory_space<vmem>>
      %gather3A_151 = tpu.vector_load_idx %gather3A_150[%add3A_62] : memref<64xf32, #tpu.memory_space<vmem>>[vector<16xi32>], vector<16xf32>,
      %gather3A_152 = arith.constant 0 : i32
      %gather3A_153 = tpu.memref_slice %arg4[%gather3A_152] : memref<32832xf32, #tpu.memory_space<vmem>> -> memref<64xf32, #tpu.memory_space<vmem>>
      %gather3A_154 = tpu.vector_load_idx %gather3A_153[%add3A_68] : memref<64xf32, #tpu.memory_space<vmem>>[vector<16xi32>], vector<16xf32>,
      %gather3A_155 = arith.constant 0 : i32
      %gather3A_156 = tpu.memref_slice %arg4[%gather3A_155] : memref<32832xf32, #tpu.memory_space<vmem>> -> memref<64xf32, #tpu.memory_space<vmem>>
      %gather3A_157 = tpu.vector_load_idx %gather3A_156[%add3A_74] : memref<64xf32, #tpu.memory_space<vmem>>[vector<16xi32>], vector<16xf32>,
      %scan3A_158 = arith.constant 0 : i32
      %scan3A_159 = arith.constant 64 : i32
      %scan3A_160 = arith.addi %scan3A_158, %scan3A_159 : i32
      %scan3A_161 = arith.constant 1 : i32
      %scan3A_162:4 = scf.for %scan3A_276 = %scan3A_158 to %scan3A_160 step %scan3A_161 iter_args(%scan3A_277 = %gather3A_148, %scan3A_278 = %gather3A_151, %scan3A_279 = %gather3A_154, %scan3A_280 = %gather3A_157) -> (vector<16xf32>, vector<16xf32>, vector<16xf32>, vector<16xf32>)  : i32 {
        %mul3A_281 = arith.constant 512 : i32
        %mul3A_282 = arith.muli %scan3A_276, %mul3A_281 : i32
        %add3A_283 = arith.constant 64 : i32
        %add3A_284 = arith.addi %mul3A_282, %add3A_283 : i32
        %gather3A_285 = tpu.memref_slice %arg4[%add3A_284] : memref<32832xf32, #tpu.memory_space<vmem>> -> memref<64xf32, #tpu.memory_space<vmem>>
        %gather3A_286 = tpu.vector_load_idx %gather3A_285[%add3A_56] : memref<64xf32, #tpu.memory_space<vmem>>[vector<16xi32>], vector<16xf32>,
        %gather3A_287 = tpu.memref_slice %arg4[%add3A_284] : memref<32832xf32, #tpu.memory_space<vmem>> -> memref<64xf32, #tpu.memory_space<vmem>>
        %gather3A_288 = tpu.vector_load_idx %gather3A_287[%add3A_62] : memref<64xf32, #tpu.memory_space<vmem>>[vector<16xi32>], vector<16xf32>,
        %gather3A_289 = tpu.memref_slice %arg4[%add3A_284] : memref<32832xf32, #tpu.memory_space<vmem>> -> memref<64xf32, #tpu.memory_space<vmem>>
        %gather3A_290 = tpu.vector_load_idx %gather3A_289[%add3A_68] : memref<64xf32, #tpu.memory_space<vmem>>[vector<16xi32>], vector<16xf32>,
        %gather3A_291 = tpu.memref_slice %arg4[%add3A_284] : memref<32832xf32, #tpu.memory_space<vmem>> -> memref<64xf32, #tpu.memory_space<vmem>>
        %gather3A_292 = tpu.vector_load_idx %gather3A_291[%add3A_74] : memref<64xf32, #tpu.memory_space<vmem>>[vector<16xi32>], vector<16xf32>,
        %max3A = arith.maximumf %scan3A_277, %scan3A_278 : vector<16xf32>
        %max3A_293 = arith.maximumf %scan3A_279, %scan3A_280 : vector<16xf32>
        %max3A_294 = arith.maximumf %max3A, %max3A_293 : vector<16xf32>
        %mul3A_295 = arith.constant 128 : i32
        %mul3A_296 = arith.muli %scan3A_276, %mul3A_295 : i32
        %add3A_297 = arith.constant 0 : i32
        %add3A_298 = arith.addi %mul3A_296, %add3A_297 : i32
        %swap3A = arith.index_cast %add3A_298 : i32 to index
        %swap3A_299 = tpu.vector_load %arg7[%swap3A] {strides = array<i32>} : memref<8192xf32, #tpu.memory_space<vmem>>, vector<16xf32>,
        tpu.vector_store %arg7[%swap3A], %max3A_294 {strides = array<i32>} : memref<8192xf32, #tpu.memory_space<vmem>>, vector<16xf32>,
        %add3A_300 = arith.constant 128 : i32
        %add3A_301 = arith.addi %mul3A_282, %add3A_300 : i32
        %gather3A_302 = tpu.memref_slice %arg4[%add3A_301] : memref<32832xf32, #tpu.memory_space<vmem>> -> memref<64xf32, #tpu.memory_space<vmem>>
        %gather3A_303 = tpu.vector_load_idx %gather3A_302[%add3A_56] : memref<64xf32, #tpu.memory_space<vmem>>[vector<16xi32>], vector<16xf32>,
        %gather3A_304 = tpu.memref_slice %arg4[%add3A_301] : memref<32832xf32, #tpu.memory_space<vmem>> -> memref<64xf32, #tpu.memory_space<vmem>>
        %gather3A_305 = tpu.vector_load_idx %gather3A_304[%add3A_62] : memref<64xf32, #tpu.memory_space<vmem>>[vector<16xi32>], vector<16xf32>,
        %gather3A_306 = tpu.memref_slice %arg4[%add3A_301] : memref<32832xf32, #tpu.memory_space<vmem>> -> memref<64xf32, #tpu.memory_space<vmem>>
        %gather3A_307 = tpu.vector_load_idx %gather3A_306[%add3A_68] : memref<64xf32, #tpu.memory_space<vmem>>[vector<16xi32>], vector<16xf32>,
        %gather3A_308 = tpu.memref_slice %arg4[%add3A_301] : memref<32832xf32, #tpu.memory_space<vmem>> -> memref<64xf32, #tpu.memory_space<vmem>>
        %gather3A_309 = tpu.vector_load_idx %gather3A_308[%add3A_74] : memref<64xf32, #tpu.memory_space<vmem>>[vector<16xi32>], vector<16xf32>,
        %max3A_310 = arith.maximumf %gather3A_286, %gather3A_288 : vector<16xf32>
        %max3A_311 = arith.maximumf %gather3A_290, %gather3A_292 : vector<16xf32>
        %max3A_312 = arith.maximumf %max3A_310, %max3A_311 : vector<16xf32>
        %mul3A_313 = arith.constant 128 : i32
        %mul3A_314 = arith.muli %scan3A_276, %mul3A_313 : i32
        %add3A_315 = arith.constant 16 : i32
        %add3A_316 = arith.addi %mul3A_314, %add3A_315 : i32
        %swap3A_317 = arith.index_cast %add3A_316 : i32 to index
        %swap3A_318 = tpu.vector_load %arg7[%swap3A_317] {strides = array<i32>} : memref<8192xf32, #tpu.memory_space<vmem>>, vector<16xf32>,
        tpu.vector_store %arg7[%swap3A_317], %max3A_312 {strides = array<i32>} : memref<8192xf32, #tpu.memory_space<vmem>>, vector<16xf32>,
        %add3A_319 = arith.constant 192 : i32
        %add3A_320 = arith.addi %mul3A_282, %add3A_319 : i32
        %gather3A_321 = tpu.memref_slice %arg4[%add3A_320] : memref<32832xf32, #tpu.memory_space<vmem>> -> memref<64xf32, #tpu.memory_space<vmem>>
        %gather3A_322 = tpu.vector_load_idx %gather3A_321[%add3A_56] : memref<64xf32, #tpu.memory_space<vmem>>[vector<16xi32>], vector<16xf32>,
        %gather3A_323 = tpu.memref_slice %arg4[%add3A_320] : memref<32832xf32, #tpu.memory_space<vmem>> -> memref<64xf32, #tpu.memory_space<vmem>>
        %gather3A_324 = tpu.vector_load_idx %gather3A_323[%add3A_62] : memref<64xf32, #tpu.memory_space<vmem>>[vector<16xi32>], vector<16xf32>,
        %gather3A_325 = tpu.memref_slice %arg4[%add3A_320] : memref<32832xf32, #tpu.memory_space<vmem>> -> memref<64xf32, #tpu.memory_space<vmem>>
        %gather3A_326 = tpu.vector_load_idx %gather3A_325[%add3A_68] : memref<64xf32, #tpu.memory_space<vmem>>[vector<16xi32>], vector<16xf32>,
        %gather3A_327 = tpu.memref_slice %arg4[%add3A_320] : memref<32832xf32, #tpu.memory_space<vmem>> -> memref<64xf32, #tpu.memory_space<vmem>>
        %gather3A_328 = tpu.vector_load_idx %gather3A_327[%add3A_74] : memref<64xf32, #tpu.memory_space<vmem>>[vector<16xi32>], vector<16xf32>,
        %max3A_329 = arith.maximumf %gather3A_303, %gather3A_305 : vector<16xf32>
        %max3A_330 = arith.maximumf %gather3A_307, %gather3A_309 : vector<16xf32>
        %max3A_331 = arith.maximumf %max3A_329, %max3A_330 : vector<16xf32>
        %mul3A_332 = arith.constant 128 : i32
        %mul3A_333 = arith.muli %scan3A_276, %mul3A_332 : i32
        %add3A_334 = arith.constant 32 : i32
        %add3A_335 = arith.addi %mul3A_333, %add3A_334 : i32
        %swap3A_336 = arith.index_cast %add3A_335 : i32 to index
        %swap3A_337 = tpu.vector_load %arg7[%swap3A_336] {strides = array<i32>} : memref<8192xf32, #tpu.memory_space<vmem>>, vector<16xf32>,
        tpu.vector_store %arg7[%swap3A_336], %max3A_331 {strides = array<i32>} : memref<8192xf32, #tpu.memory_space<vmem>>, vector<16xf32>,
        %add3A_338 = arith.constant 256 : i32
        %add3A_339 = arith.addi %mul3A_282, %add3A_338 : i32
        %gather3A_340 = tpu.memref_slice %arg4[%add3A_339] : memref<32832xf32, #tpu.memory_space<vmem>> -> memref<64xf32, #tpu.memory_space<vmem>>
        %gather3A_341 = tpu.vector_load_idx %gather3A_340[%add3A_56] : memref<64xf32, #tpu.memory_space<vmem>>[vector<16xi32>], vector<16xf32>,
        %gather3A_342 = tpu.memref_slice %arg4[%add3A_339] : memref<32832xf32, #tpu.memory_space<vmem>> -> memref<64xf32, #tpu.memory_space<vmem>>
        %gather3A_343 = tpu.vector_load_idx %gather3A_342[%add3A_62] : memref<64xf32, #tpu.memory_space<vmem>>[vector<16xi32>], vector<16xf32>,
        %gather3A_344 = tpu.memref_slice %arg4[%add3A_339] : memref<32832xf32, #tpu.memory_space<vmem>> -> memref<64xf32, #tpu.memory_space<vmem>>
        %gather3A_345 = tpu.vector_load_idx %gather3A_344[%add3A_68] : memref<64xf32, #tpu.memory_space<vmem>>[vector<16xi32>], vector<16xf32>,
        %gather3A_346 = tpu.memref_slice %arg4[%add3A_339] : memref<32832xf32, #tpu.memory_space<vmem>> -> memref<64xf32, #tpu.memory_space<vmem>>
        %gather3A_347 = tpu.vector_load_idx %gather3A_346[%add3A_74] : memref<64xf32, #tpu.memory_space<vmem>>[vector<16xi32>], vector<16xf32>,
        %max3A_348 = arith.maximumf %gather3A_322, %gather3A_324 : vector<16xf32>
        %max3A_349 = arith.maximumf %gather3A_326, %gather3A_328 : vector<16xf32>
        %max3A_350 = arith.maximumf %max3A_348, %max3A_349 : vector<16xf32>
        %mul3A_351 = arith.constant 128 : i32
        %mul3A_352 = arith.muli %scan3A_276, %mul3A_351 : i32
        %add3A_353 = arith.constant 48 : i32
        %add3A_354 = arith.addi %mul3A_352, %add3A_353 : i32
        %swap3A_355 = arith.index_cast %add3A_354 : i32 to index
        %swap3A_356 = tpu.vector_load %arg7[%swap3A_355] {strides = array<i32>} : memref<8192xf32, #tpu.memory_space<vmem>>, vector<16xf32>,
        tpu.vector_store %arg7[%swap3A_355], %max3A_350 {strides = array<i32>} : memref<8192xf32, #tpu.memory_space<vmem>>, vector<16xf32>,
        %add3A_357 = arith.constant 320 : i32
        %add3A_358 = arith.addi %mul3A_282, %add3A_357 : i32
        %gather3A_359 = tpu.memref_slice %arg4[%add3A_358] : memref<32832xf32, #tpu.memory_space<vmem>> -> memref<64xf32, #tpu.memory_space<vmem>>
        %gather3A_360 = tpu.vector_load_idx %gather3A_359[%add3A_56] : memref<64xf32, #tpu.memory_space<vmem>>[vector<16xi32>], vector<16xf32>,
        %gather3A_361 = tpu.memref_slice %arg4[%add3A_358] : memref<32832xf32, #tpu.memory_space<vmem>> -> memref<64xf32, #tpu.memory_space<vmem>>
        %gather3A_362 = tpu.vector_load_idx %gather3A_361[%add3A_62] : memref<64xf32, #tpu.memory_space<vmem>>[vector<16xi32>], vector<16xf32>,
        %gather3A_363 = tpu.memref_slice %arg4[%add3A_358] : memref<32832xf32, #tpu.memory_space<vmem>> -> memref<64xf32, #tpu.memory_space<vmem>>
        %gather3A_364 = tpu.vector_load_idx %gather3A_363[%add3A_68] : memref<64xf32, #tpu.memory_space<vmem>>[vector<16xi32>], vector<16xf32>,
        %gather3A_365 = tpu.memref_slice %arg4[%add3A_358] : memref<32832xf32, #tpu.memory_space<vmem>> -> memref<64xf32, #tpu.memory_space<vmem>>
        %gather3A_366 = tpu.vector_load_idx %gather3A_365[%add3A_74] : memref<64xf32, #tpu.memory_space<vmem>>[vector<16xi32>], vector<16xf32>,
        %max3A_367 = arith.maximumf %gather3A_341, %gather3A_343 : vector<16xf32>
        %max3A_368 = arith.maximumf %gather3A_345, %gather3A_347 : vector<16xf32>
        %max3A_369 = arith.maximumf %max3A_367, %max3A_368 : vector<16xf32>
        %mul3A_370 = arith.constant 128 : i32
        %mul3A_371 = arith.muli %scan3A_276, %mul3A_370 : i32
        %add3A_372 = arith.constant 64 : i32
        %add3A_373 = arith.addi %mul3A_371, %add3A_372 : i32
        %swap3A_374 = arith.index_cast %add3A_373 : i32 to index
        %swap3A_375 = tpu.vector_load %arg7[%swap3A_374] {strides = array<i32>} : memref<8192xf32, #tpu.memory_space<vmem>>, vector<16xf32>,
        tpu.vector_store %arg7[%swap3A_374], %max3A_369 {strides = array<i32>} : memref<8192xf32, #tpu.memory_space<vmem>>, vector<16xf32>,
        %add3A_376 = arith.constant 384 : i32
        %add3A_377 = arith.addi %mul3A_282, %add3A_376 : i32
        %gather3A_378 = tpu.memref_slice %arg4[%add3A_377] : memref<32832xf32, #tpu.memory_space<vmem>> -> memref<64xf32, #tpu.memory_space<vmem>>
        %gather3A_379 = tpu.vector_load_idx %gather3A_378[%add3A_56] : memref<64xf32, #tpu.memory_space<vmem>>[vector<16xi32>], vector<16xf32>,
        %gather3A_380 = tpu.memref_slice %arg4[%add3A_377] : memref<32832xf32, #tpu.memory_space<vmem>> -> memref<64xf32, #tpu.memory_space<vmem>>
        %gather3A_381 = tpu.vector_load_idx %gather3A_380[%add3A_62] : memref<64xf32, #tpu.memory_space<vmem>>[vector<16xi32>], vector<16xf32>,
        %gather3A_382 = tpu.memref_slice %arg4[%add3A_377] : memref<32832xf32, #tpu.memory_space<vmem>> -> memref<64xf32, #tpu.memory_space<vmem>>
        %gather3A_383 = tpu.vector_load_idx %gather3A_382[%add3A_68] : memref<64xf32, #tpu.memory_space<vmem>>[vector<16xi32>], vector<16xf32>,
        %gather3A_384 = tpu.memref_slice %arg4[%add3A_377] : memref<32832xf32, #tpu.memory_space<vmem>> -> memref<64xf32, #tpu.memory_space<vmem>>
        %gather3A_385 = tpu.vector_load_idx %gather3A_384[%add3A_74] : memref<64xf32, #tpu.memory_space<vmem>>[vector<16xi32>], vector<16xf32>,
        %max3A_386 = arith.maximumf %gather3A_360, %gather3A_362 : vector<16xf32>
        %max3A_387 = arith.maximumf %gather3A_364, %gather3A_366 : vector<16xf32>
        %max3A_388 = arith.maximumf %max3A_386, %max3A_387 : vector<16xf32>
        %mul3A_389 = arith.constant 128 : i32
        %mul3A_390 = arith.muli %scan3A_276, %mul3A_389 : i32
        %add3A_391 = arith.constant 80 : i32
        %add3A_392 = arith.addi %mul3A_390, %add3A_391 : i32
        %swap3A_393 = arith.index_cast %add3A_392 : i32 to index
        %swap3A_394 = tpu.vector_load %arg7[%swap3A_393] {strides = array<i32>} : memref<8192xf32, #tpu.memory_space<vmem>>, vector<16xf32>,
        tpu.vector_store %arg7[%swap3A_393], %max3A_388 {strides = array<i32>} : memref<8192xf32, #tpu.memory_space<vmem>>, vector<16xf32>,
        %add3A_395 = arith.constant 448 : i32
        %add3A_396 = arith.addi %mul3A_282, %add3A_395 : i32
        %gather3A_397 = tpu.memref_slice %arg4[%add3A_396] : memref<32832xf32, #tpu.memory_space<vmem>> -> memref<64xf32, #tpu.memory_space<vmem>>
        %gather3A_398 = tpu.vector_load_idx %gather3A_397[%add3A_56] : memref<64xf32, #tpu.memory_space<vmem>>[vector<16xi32>], vector<16xf32>,
        %gather3A_399 = tpu.memref_slice %arg4[%add3A_396] : memref<32832xf32, #tpu.memory_space<vmem>> -> memref<64xf32, #tpu.memory_space<vmem>>
        %gather3A_400 = tpu.vector_load_idx %gather3A_399[%add3A_62] : memref<64xf32, #tpu.memory_space<vmem>>[vector<16xi32>], vector<16xf32>,
        %gather3A_401 = tpu.memref_slice %arg4[%add3A_396] : memref<32832xf32, #tpu.memory_space<vmem>> -> memref<64xf32, #tpu.memory_space<vmem>>
        %gather3A_402 = tpu.vector_load_idx %gather3A_401[%add3A_68] : memref<64xf32, #tpu.memory_space<vmem>>[vector<16xi32>], vector<16xf32>,
        %gather3A_403 = tpu.memref_slice %arg4[%add3A_396] : memref<32832xf32, #tpu.memory_space<vmem>> -> memref<64xf32, #tpu.memory_space<vmem>>
        %gather3A_404 = tpu.vector_load_idx %gather3A_403[%add3A_74] : memref<64xf32, #tpu.memory_space<vmem>>[vector<16xi32>], vector<16xf32>,
        %max3A_405 = arith.maximumf %gather3A_379, %gather3A_381 : vector<16xf32>
        %max3A_406 = arith.maximumf %gather3A_383, %gather3A_385 : vector<16xf32>
        %max3A_407 = arith.maximumf %max3A_405, %max3A_406 : vector<16xf32>
        %mul3A_408 = arith.constant 128 : i32
        %mul3A_409 = arith.muli %scan3A_276, %mul3A_408 : i32
        %add3A_410 = arith.constant 96 : i32
        %add3A_411 = arith.addi %mul3A_409, %add3A_410 : i32
        %swap3A_412 = arith.index_cast %add3A_411 : i32 to index
        %swap3A_413 = tpu.vector_load %arg7[%swap3A_412] {strides = array<i32>} : memref<8192xf32, #tpu.memory_space<vmem>>, vector<16xf32>,
        tpu.vector_store %arg7[%swap3A_412], %max3A_407 {strides = array<i32>} : memref<8192xf32, #tpu.memory_space<vmem>>, vector<16xf32>,
        %add3A_414 = arith.constant 512 : i32
        %add3A_415 = arith.addi %mul3A_282, %add3A_414 : i32
        %gather3A_416 = tpu.memref_slice %arg4[%add3A_415] : memref<32832xf32, #tpu.memory_space<vmem>> -> memref<64xf32, #tpu.memory_space<vmem>>
        %gather3A_417 = tpu.vector_load_idx %gather3A_416[%add3A_56] : memref<64xf32, #tpu.memory_space<vmem>>[vector<16xi32>], vector<16xf32>,
        %gather3A_418 = tpu.memref_slice %arg4[%add3A_415] : memref<32832xf32, #tpu.memory_space<vmem>> -> memref<64xf32, #tpu.memory_space<vmem>>
        %gather3A_419 = tpu.vector_load_idx %gather3A_418[%add3A_62] : memref<64xf32, #tpu.memory_space<vmem>>[vector<16xi32>], vector<16xf32>,
        %gather3A_420 = tpu.memref_slice %arg4[%add3A_415] : memref<32832xf32, #tpu.memory_space<vmem>> -> memref<64xf32, #tpu.memory_space<vmem>>
        %gather3A_421 = tpu.vector_load_idx %gather3A_420[%add3A_68] : memref<64xf32, #tpu.memory_space<vmem>>[vector<16xi32>], vector<16xf32>,
        %gather3A_422 = tpu.memref_slice %arg4[%add3A_415] : memref<32832xf32, #tpu.memory_space<vmem>> -> memref<64xf32, #tpu.memory_space<vmem>>
        %gather3A_423 = tpu.vector_load_idx %gather3A_422[%add3A_74] : memref<64xf32, #tpu.memory_space<vmem>>[vector<16xi32>], vector<16xf32>,
        %max3A_424 = arith.maximumf %gather3A_398, %gather3A_400 : vector<16xf32>
        %max3A_425 = arith.maximumf %gather3A_402, %gather3A_404 : vector<16xf32>
        %max3A_426 = arith.maximumf %max3A_424, %max3A_425 : vector<16xf32>
        %mul3A_427 = arith.constant 128 : i32
        %mul3A_428 = arith.muli %scan3A_276, %mul3A_427 : i32
        %add3A_429 = arith.constant 112 : i32
        %add3A_430 = arith.addi %mul3A_428, %add3A_429 : i32
        %swap3A_431 = arith.index_cast %add3A_430 : i32 to index
        %swap3A_432 = tpu.vector_load %arg7[%swap3A_431] {strides = array<i32>} : memref<8192xf32, #tpu.memory_space<vmem>>, vector<16xf32>,
        tpu.vector_store %arg7[%swap3A_431], %max3A_426 {strides = array<i32>} : memref<8192xf32, #tpu.memory_space<vmem>>, vector<16xf32>,
        scf.yield %gather3A_417, %gather3A_419, %gather3A_421, %gather3A_423 : vector<16xf32>, vector<16xf32>, vector<16xf32>, vector<16xf32>
      }
      %scan3A_163 = arith.constant 64 : i32
      %lt3A_164 = arith.constant 7 : i32
      %lt3A_165 = arith.cmpi slt, %scan3A_129, %lt3A_164 : i32
      %convert_element_type3A_166 = arith.extui %lt3A_165 : i1 to i32
      %cond3A_167 = arith.constant 0 : i32
      %cond3A_168 = arith.cmpi ne, %convert_element_type3A_166, %cond3A_167 : i32
      scf.if %cond3A_168 {
        %add3A_276 = arith.constant 3 : i32
        %add3A_277 = arith.addi %add3A_133, %add3A_276 : i32
        %mul3A_278 = arith.constant 32768 : i32
        %mul3A_279 = arith.muli %add3A_277, %mul3A_278 : i32
        %add3A_280 = arith.addi %mul3A_32, %mul3A_279 : i32
        %dma_start3A_281 = arith.constant 0 : i32
        %dma_start3A_282 = tpu.memref_slice %arg4[%dma_start3A_281] : memref<32832xf32, #tpu.memory_space<vmem>> -> memref<32768xf32, #tpu.memory_space<vmem>>
        %dma_start3A_283 = tpu.memref_slice %arg2[%select_n3A, %add3A_280] : memref<8x3145728xf32, #tpu.memory_space<hbm>> -> memref<1x32768xf32, #tpu.memory_space<hbm>>
        %dma_start3A_284 = tpu.memref_squeeze %dma_start3A_283 : memref<1x32768xf32, #tpu.memory_space<hbm>> -> memref<32768xf32, #tpu.memory_space<hbm>>
        %dma_start3A_285 = arith.constant 0 : i32
        %dma_start3A_286 = tpu.memref_slice %arg4[%dma_start3A_285] : memref<32832xf32, #tpu.memory_space<vmem>> -> memref<32768xf32, #tpu.memory_space<vmem>>
        %dma_start3A_287 = tpu.memref_slice %arg2[%select_n3A, %add3A_280] : memref<8x3145728xf32, #tpu.memory_space<hbm>> -> memref<1x32768xf32, #tpu.memory_space<hbm>>
        %dma_start3A_288 = tpu.memref_squeeze %dma_start3A_287 : memref<1x32768xf32, #tpu.memory_space<hbm>> -> memref<32768xf32, #tpu.memory_space<hbm>>
        tpu.enqueue_dma source(%dma_start3A_288 : memref<32768xf32, #tpu.memory_space<hbm>>) target(%dma_start3A_286 : memref<32768xf32, #tpu.memory_space<vmem>>) target_semaphore(%arg10 : memref<!tpu.dma_semaphore, #tpu.memory_space<semaphore_mem>>)
      } else {
      }
      %mul3A_169 = arith.constant 8192 : i32
      %mul3A_170 = arith.muli %add3A_133, %mul3A_169 : i32
      %add3A_171 = arith.addi %mul3A_50, %mul3A_170 : i32
      %dma_start3A_172 = tpu.memref_slice %arg3[%select_n3A, %add3A_171] : memref<8x786432xf32, #tpu.memory_space<hbm>> -> memref<1x8192xf32, #tpu.memory_space<hbm>>
      %dma_start3A_173 = tpu.memref_squeeze %dma_start3A_172 : memref<1x8192xf32, #tpu.memory_space<hbm>> -> memref<8192xf32, #tpu.memory_space<hbm>>
      %dma_start3A_174 = tpu.memref_slice %arg3[%select_n3A, %add3A_171] : memref<8x786432xf32, #tpu.memory_space<hbm>> -> memref<1x8192xf32, #tpu.memory_space<hbm>>
      %dma_start3A_175 = tpu.memref_squeeze %dma_start3A_174 : memref<1x8192xf32, #tpu.memory_space<hbm>> -> memref<8192xf32, #tpu.memory_space<hbm>>
      tpu.enqueue_dma source(%arg7 : memref<8192xf32, #tpu.memory_space<vmem>>) target(%dma_start3A_175 : memref<8192xf32, #tpu.memory_space<hbm>>) target_semaphore(%arg13 : memref<!tpu.dma_semaphore, #tpu.memory_space<semaphore_mem>>)
      %mul3A_176 = arith.constant 3 : i32
      %mul3A_177 = arith.muli %scan3A_129, %mul3A_176 : i32
      %add3A_178 = arith.constant 1 : i32
      %add3A_179 = arith.addi %mul3A_177, %add3A_178 : i32
      %dma_wait3A_180 = arith.constant 0 : i32
      %dma_wait3A_181 = arith.constant 0 : i32
      %dma_wait3A_182 = tpu.memref_slice %arg5[%dma_wait3A_181] : memref<32832xf32, #tpu.memory_space<vmem>> -> memref<32768xf32, #tpu.memory_space<vmem>>
      %dma_wait3A_183 = arith.constant 0 : i32
      %dma_wait3A_184 = tpu.memref_slice %arg2[%dma_wait3A_180, %dma_wait3A_183] : memref<8x3145728xf32, #tpu.memory_space<hbm>> -> memref<1x32768xf32, #tpu.memory_space<hbm>>
      %dma_wait3A_185 = tpu.memref_squeeze %dma_wait3A_184 : memref<1x32768xf32, #tpu.memory_space<hbm>> -> memref<32768xf32, #tpu.memory_space<hbm>>
      %dma_wait3A_186 = arith.constant 0 : i32
      %dma_wait3A_187 = tpu.memref_slice %arg5[%dma_wait3A_186] : memref<32832xf32, #tpu.memory_space<vmem>> -> memref<32768xf32, #tpu.memory_space<vmem>>
      %dma_wait3A_188 = arith.constant 0 : i32
      %dma_wait3A_189 = tpu.memref_slice %arg2[%dma_wait3A_180, %dma_wait3A_188] : memref<8x3145728xf32, #tpu.memory_space<hbm>> -> memref<1x32768xf32, #tpu.memory_space<hbm>>
      %dma_wait3A_190 = tpu.memref_squeeze %dma_wait3A_189 : memref<1x32768xf32, #tpu.memory_space<hbm>> -> memref<32768xf32, #tpu.memory_space<hbm>>
      tpu.wait_dma2 semaphore(%arg11 : memref<!tpu.dma_semaphore, #tpu.memory_space<semaphore_mem>>) src(%dma_wait3A_190 : memref<32768xf32, #tpu.memory_space<hbm>>) dst(%dma_wait3A_187 : memref<32768xf32, #tpu.memory_space<vmem>>)
      %gt3A_191 = arith.constant 0 : i32
      %gt3A_192 = arith.cmpi sgt, %scan3A_129, %gt3A_191 : i32
      %convert_element_type3A_193 = arith.extui %gt3A_192 : i1 to i32
      %cond3A_194 = arith.constant 0 : i32
      %cond3A_195 = arith.cmpi ne, %convert_element_type3A_193, %cond3A_194 : i32
      scf.if %cond3A_195 {
        %dma_wait3A_276 = arith.constant 0 : i32
        %dma_wait3A_277 = arith.constant 0 : i32
        %dma_wait3A_278 = tpu.memref_slice %arg3[%dma_wait3A_276, %dma_wait3A_277] : memref<8x786432xf32, #tpu.memory_space<hbm>> -> memref<1x8192xf32, #tpu.memory_space<hbm>>
        %dma_wait3A_279 = tpu.memref_squeeze %dma_wait3A_278 : memref<1x8192xf32, #tpu.memory_space<hbm>> -> memref<8192xf32, #tpu.memory_space<hbm>>
        %dma_wait3A_280 = arith.constant 0 : i32
        %dma_wait3A_281 = tpu.memref_slice %arg3[%dma_wait3A_276, %dma_wait3A_280] : memref<8x786432xf32, #tpu.memory_space<hbm>> -> memref<1x8192xf32, #tpu.memory_space<hbm>>
        %dma_wait3A_282 = tpu.memref_squeeze %dma_wait3A_281 : memref<1x8192xf32, #tpu.memory_space<hbm>> -> memref<8192xf32, #tpu.memory_space<hbm>>
        tpu.wait_dma2 semaphore(%arg14 : memref<!tpu.dma_semaphore, #tpu.memory_space<semaphore_mem>>) src(%arg8 : memref<8192xf32, #tpu.memory_space<vmem>>) dst(%dma_wait3A_282 : memref<8192xf32, #tpu.memory_space<hbm>>)
      } else {
      }
      %gather3A_196 = arith.constant 0 : i32
      %gather3A_197 = tpu.memref_slice %arg5[%gather3A_196] : memref<32832xf32, #tpu.memory_space<vmem>> -> memref<64xf32, #tpu.memory_space<vmem>>
      %gather3A_198 = tpu.vector_load_idx %gather3A_197[%add3A_56] : memref<64xf32, #tpu.memory_space<vmem>>[vector<16xi32>], vector<16xf32>,
      %gather3A_199 = arith.constant 0 : i32
      %gather3A_200 = tpu.memref_slice %arg5[%gather3A_199] : memref<32832xf32, #tpu.memory_space<vmem>> -> memref<64xf32, #tpu.memory_space<vmem>>
      %gather3A_201 = tpu.vector_load_idx %gather3A_200[%add3A_62] : memref<64xf32, #tpu.memory_space<vmem>>[vector<16xi32>], vector<16xf32>,
      %gather3A_202 = arith.constant 0 : i32
      %gather3A_203 = tpu.memref_slice %arg5[%gather3A_202] : memref<32832xf32, #tpu.memory_space<vmem>> -> memref<64xf32, #tpu.memory_space<vmem>>
      %gather3A_204 = tpu.vector_load_idx %gather3A_203[%add3A_68] : memref<64xf32, #tpu.memory_space<vmem>>[vector<16xi32>], vector<16xf32>,
      %gather3A_205 = arith.constant 0 : i32
      %gather3A_206 = tpu.memref_slice %arg5[%gather3A_205] : memref<32832xf32, #tpu.memory_space<vmem>> -> memref<64xf32, #tpu.memory_space<vmem>>
      %gather3A_207 = tpu.vector_load_idx %gather3A_206[%add3A_74] : memref<64xf32, #tpu.memory_space<vmem>>[vector<16xi32>], vector<16xf32>,
      %scan3A_208 = arith.constant 0 : i32
      %scan3A_209 = arith.constant 64 : i32
      %scan3A_210 = arith.addi %scan3A_208, %scan3A_209 : i32
      %scan3A_211 = arith.constant 1 : i32
      %scan3A_212:4 = scf.for %scan3A_276 = %scan3A_208 to %scan3A_210 step %scan3A_211 iter_args(%scan3A_277 = %gather3A_198, %scan3A_278 = %gather3A_201, %scan3A_279 = %gather3A_204, %scan3A_280 = %gather3A_207) -> (vector<16xf32>, vector<16xf32>, vector<16xf32>, vector<16xf32>)  : i32 {
        %mul3A_281 = arith.constant 512 : i32
        %mul3A_282 = arith.muli %scan3A_276, %mul3A_281 : i32
        %add3A_283 = arith.constant 64 : i32
        %add3A_284 = arith.addi %mul3A_282, %add3A_283 : i32
        %gather3A_285 = tpu.memref_slice %arg5[%add3A_284] : memref<32832xf32, #tpu.memory_space<vmem>> -> memref<64xf32, #tpu.memory_space<vmem>>
        %gather3A_286 = tpu.vector_load_idx %gather3A_285[%add3A_56] : memref<64xf32, #tpu.memory_space<vmem>>[vector<16xi32>], vector<16xf32>,
        %gather3A_287 = tpu.memref_slice %arg5[%add3A_284] : memref<32832xf32, #tpu.memory_space<vmem>> -> memref<64xf32, #tpu.memory_space<vmem>>
        %gather3A_288 = tpu.vector_load_idx %gather3A_287[%add3A_62] : memref<64xf32, #tpu.memory_space<vmem>>[vector<16xi32>], vector<16xf32>,
        %gather3A_289 = tpu.memref_slice %arg5[%add3A_284] : memref<32832xf32, #tpu.memory_space<vmem>> -> memref<64xf32, #tpu.memory_space<vmem>>
        %gather3A_290 = tpu.vector_load_idx %gather3A_289[%add3A_68] : memref<64xf32, #tpu.memory_space<vmem>>[vector<16xi32>], vector<16xf32>,
        %gather3A_291 = tpu.memref_slice %arg5[%add3A_284] : memref<32832xf32, #tpu.memory_space<vmem>> -> memref<64xf32, #tpu.memory_space<vmem>>
        %gather3A_292 = tpu.vector_load_idx %gather3A_291[%add3A_74] : memref<64xf32, #tpu.memory_space<vmem>>[vector<16xi32>], vector<16xf32>,
        %max3A = arith.maximumf %scan3A_277, %scan3A_278 : vector<16xf32>
        %max3A_293 = arith.maximumf %scan3A_279, %scan3A_280 : vector<16xf32>
        %max3A_294 = arith.maximumf %max3A, %max3A_293 : vector<16xf32>
        %mul3A_295 = arith.constant 128 : i32
        %mul3A_296 = arith.muli %scan3A_276, %mul3A_295 : i32
        %add3A_297 = arith.constant 0 : i32
        %add3A_298 = arith.addi %mul3A_296, %add3A_297 : i32
        %swap3A = arith.index_cast %add3A_298 : i32 to index
        %swap3A_299 = tpu.vector_load %arg8[%swap3A] {strides = array<i32>} : memref<8192xf32, #tpu.memory_space<vmem>>, vector<16xf32>,
        tpu.vector_store %arg8[%swap3A], %max3A_294 {strides = array<i32>} : memref<8192xf32, #tpu.memory_space<vmem>>, vector<16xf32>,
        %add3A_300 = arith.constant 128 : i32
        %add3A_301 = arith.addi %mul3A_282, %add3A_300 : i32
        %gather3A_302 = tpu.memref_slice %arg5[%add3A_301] : memref<32832xf32, #tpu.memory_space<vmem>> -> memref<64xf32, #tpu.memory_space<vmem>>
        %gather3A_303 = tpu.vector_load_idx %gather3A_302[%add3A_56] : memref<64xf32, #tpu.memory_space<vmem>>[vector<16xi32>], vector<16xf32>,
        %gather3A_304 = tpu.memref_slice %arg5[%add3A_301] : memref<32832xf32, #tpu.memory_space<vmem>> -> memref<64xf32, #tpu.memory_space<vmem>>
        %gather3A_305 = tpu.vector_load_idx %gather3A_304[%add3A_62] : memref<64xf32, #tpu.memory_space<vmem>>[vector<16xi32>], vector<16xf32>,
        %gather3A_306 = tpu.memref_slice %arg5[%add3A_301] : memref<32832xf32, #tpu.memory_space<vmem>> -> memref<64xf32, #tpu.memory_space<vmem>>
        %gather3A_307 = tpu.vector_load_idx %gather3A_306[%add3A_68] : memref<64xf32, #tpu.memory_space<vmem>>[vector<16xi32>], vector<16xf32>,
        %gather3A_308 = tpu.memref_slice %arg5[%add3A_301] : memref<32832xf32, #tpu.memory_space<vmem>> -> memref<64xf32, #tpu.memory_space<vmem>>
        %gather3A_309 = tpu.vector_load_idx %gather3A_308[%add3A_74] : memref<64xf32, #tpu.memory_space<vmem>>[vector<16xi32>], vector<16xf32>,
        %max3A_310 = arith.maximumf %gather3A_286, %gather3A_288 : vector<16xf32>
        %max3A_311 = arith.maximumf %gather3A_290, %gather3A_292 : vector<16xf32>
        %max3A_312 = arith.maximumf %max3A_310, %max3A_311 : vector<16xf32>
        %mul3A_313 = arith.constant 128 : i32
        %mul3A_314 = arith.muli %scan3A_276, %mul3A_313 : i32
        %add3A_315 = arith.constant 16 : i32
        %add3A_316 = arith.addi %mul3A_314, %add3A_315 : i32
        %swap3A_317 = arith.index_cast %add3A_316 : i32 to index
        %swap3A_318 = tpu.vector_load %arg8[%swap3A_317] {strides = array<i32>} : memref<8192xf32, #tpu.memory_space<vmem>>, vector<16xf32>,
        tpu.vector_store %arg8[%swap3A_317], %max3A_312 {strides = array<i32>} : memref<8192xf32, #tpu.memory_space<vmem>>, vector<16xf32>,
        %add3A_319 = arith.constant 192 : i32
        %add3A_320 = arith.addi %mul3A_282, %add3A_319 : i32
        %gather3A_321 = tpu.memref_slice %arg5[%add3A_320] : memref<32832xf32, #tpu.memory_space<vmem>> -> memref<64xf32, #tpu.memory_space<vmem>>
        %gather3A_322 = tpu.vector_load_idx %gather3A_321[%add3A_56] : memref<64xf32, #tpu.memory_space<vmem>>[vector<16xi32>], vector<16xf32>,
        %gather3A_323 = tpu.memref_slice %arg5[%add3A_320] : memref<32832xf32, #tpu.memory_space<vmem>> -> memref<64xf32, #tpu.memory_space<vmem>>
        %gather3A_324 = tpu.vector_load_idx %gather3A_323[%add3A_62] : memref<64xf32, #tpu.memory_space<vmem>>[vector<16xi32>], vector<16xf32>,
        %gather3A_325 = tpu.memref_slice %arg5[%add3A_320] : memref<32832xf32, #tpu.memory_space<vmem>> -> memref<64xf32, #tpu.memory_space<vmem>>
        %gather3A_326 = tpu.vector_load_idx %gather3A_325[%add3A_68] : memref<64xf32, #tpu.memory_space<vmem>>[vector<16xi32>], vector<16xf32>,
        %gather3A_327 = tpu.memref_slice %arg5[%add3A_320] : memref<32832xf32, #tpu.memory_space<vmem>> -> memref<64xf32, #tpu.memory_space<vmem>>
        %gather3A_328 = tpu.vector_load_idx %gather3A_327[%add3A_74] : memref<64xf32, #tpu.memory_space<vmem>>[vector<16xi32>], vector<16xf32>,
        %max3A_329 = arith.maximumf %gather3A_303, %gather3A_305 : vector<16xf32>
        %max3A_330 = arith.maximumf %gather3A_307, %gather3A_309 : vector<16xf32>
        %max3A_331 = arith.maximumf %max3A_329, %max3A_330 : vector<16xf32>
        %mul3A_332 = arith.constant 128 : i32
        %mul3A_333 = arith.muli %scan3A_276, %mul3A_332 : i32
        %add3A_334 = arith.constant 32 : i32
        %add3A_335 = arith.addi %mul3A_333, %add3A_334 : i32
        %swap3A_336 = arith.index_cast %add3A_335 : i32 to index
        %swap3A_337 = tpu.vector_load %arg8[%swap3A_336] {strides = array<i32>} : memref<8192xf32, #tpu.memory_space<vmem>>, vector<16xf32>,
        tpu.vector_store %arg8[%swap3A_336], %max3A_331 {strides = array<i32>} : memref<8192xf32, #tpu.memory_space<vmem>>, vector<16xf32>,
        %add3A_338 = arith.constant 256 : i32
        %add3A_339 = arith.addi %mul3A_282, %add3A_338 : i32
        %gather3A_340 = tpu.memref_slice %arg5[%add3A_339] : memref<32832xf32, #tpu.memory_space<vmem>> -> memref<64xf32, #tpu.memory_space<vmem>>
        %gather3A_341 = tpu.vector_load_idx %gather3A_340[%add3A_56] : memref<64xf32, #tpu.memory_space<vmem>>[vector<16xi32>], vector<16xf32>,
        %gather3A_342 = tpu.memref_slice %arg5[%add3A_339] : memref<32832xf32, #tpu.memory_space<vmem>> -> memref<64xf32, #tpu.memory_space<vmem>>
        %gather3A_343 = tpu.vector_load_idx %gather3A_342[%add3A_62] : memref<64xf32, #tpu.memory_space<vmem>>[vector<16xi32>], vector<16xf32>,
        %gather3A_344 = tpu.memref_slice %arg5[%add3A_339] : memref<32832xf32, #tpu.memory_space<vmem>> -> memref<64xf32, #tpu.memory_space<vmem>>
        %gather3A_345 = tpu.vector_load_idx %gather3A_344[%add3A_68] : memref<64xf32, #tpu.memory_space<vmem>>[vector<16xi32>], vector<16xf32>,
        %gather3A_346 = tpu.memref_slice %arg5[%add3A_339] : memref<32832xf32, #tpu.memory_space<vmem>> -> memref<64xf32, #tpu.memory_space<vmem>>
        %gather3A_347 = tpu.vector_load_idx %gather3A_346[%add3A_74] : memref<64xf32, #tpu.memory_space<vmem>>[vector<16xi32>], vector<16xf32>,
        %max3A_348 = arith.maximumf %gather3A_322, %gather3A_324 : vector<16xf32>
        %max3A_349 = arith.maximumf %gather3A_326, %gather3A_328 : vector<16xf32>
        %max3A_350 = arith.maximumf %max3A_348, %max3A_349 : vector<16xf32>
        %mul3A_351 = arith.constant 128 : i32
        %mul3A_352 = arith.muli %scan3A_276, %mul3A_351 : i32
        %add3A_353 = arith.constant 48 : i32
        %add3A_354 = arith.addi %mul3A_352, %add3A_353 : i32
        %swap3A_355 = arith.index_cast %add3A_354 : i32 to index
        %swap3A_356 = tpu.vector_load %arg8[%swap3A_355] {strides = array<i32>} : memref<8192xf32, #tpu.memory_space<vmem>>, vector<16xf32>,
        tpu.vector_store %arg8[%swap3A_355], %max3A_350 {strides = array<i32>} : memref<8192xf32, #tpu.memory_space<vmem>>, vector<16xf32>,
        %add3A_357 = arith.constant 320 : i32
        %add3A_358 = arith.addi %mul3A_282, %add3A_357 : i32
        %gather3A_359 = tpu.memref_slice %arg5[%add3A_358] : memref<32832xf32, #tpu.memory_space<vmem>> -> memref<64xf32, #tpu.memory_space<vmem>>
        %gather3A_360 = tpu.vector_load_idx %gather3A_359[%add3A_56] : memref<64xf32, #tpu.memory_space<vmem>>[vector<16xi32>], vector<16xf32>,
        %gather3A_361 = tpu.memref_slice %arg5[%add3A_358] : memref<32832xf32, #tpu.memory_space<vmem>> -> memref<64xf32, #tpu.memory_space<vmem>>
        %gather3A_362 = tpu.vector_load_idx %gather3A_361[%add3A_62] : memref<64xf32, #tpu.memory_space<vmem>>[vector<16xi32>], vector<16xf32>,
        %gather3A_363 = tpu.memref_slice %arg5[%add3A_358] : memref<32832xf32, #tpu.memory_space<vmem>> -> memref<64xf32, #tpu.memory_space<vmem>>
        %gather3A_364 = tpu.vector_load_idx %gather3A_363[%add3A_68] : memref<64xf32, #tpu.memory_space<vmem>>[vector<16xi32>], vector<16xf32>,
        %gather3A_365 = tpu.memref_slice %arg5[%add3A_358] : memref<32832xf32, #tpu.memory_space<vmem>> -> memref<64xf32, #tpu.memory_space<vmem>>
        %gather3A_366 = tpu.vector_load_idx %gather3A_365[%add3A_74] : memref<64xf32, #tpu.memory_space<vmem>>[vector<16xi32>], vector<16xf32>,
        %max3A_367 = arith.maximumf %gather3A_341, %gather3A_343 : vector<16xf32>
        %max3A_368 = arith.maximumf %gather3A_345, %gather3A_347 : vector<16xf32>
        %max3A_369 = arith.maximumf %max3A_367, %max3A_368 : vector<16xf32>
        %mul3A_370 = arith.constant 128 : i32
        %mul3A_371 = arith.muli %scan3A_276, %mul3A_370 : i32
        %add3A_372 = arith.constant 64 : i32
        %add3A_373 = arith.addi %mul3A_371, %add3A_372 : i32
        %swap3A_374 = arith.index_cast %add3A_373 : i32 to index
        %swap3A_375 = tpu.vector_load %arg8[%swap3A_374] {strides = array<i32>} : memref<8192xf32, #tpu.memory_space<vmem>>, vector<16xf32>,
        tpu.vector_store %arg8[%swap3A_374], %max3A_369 {strides = array<i32>} : memref<8192xf32, #tpu.memory_space<vmem>>, vector<16xf32>,
        %add3A_376 = arith.constant 384 : i32
        %add3A_377 = arith.addi %mul3A_282, %add3A_376 : i32
        %gather3A_378 = tpu.memref_slice %arg5[%add3A_377] : memref<32832xf32, #tpu.memory_space<vmem>> -> memref<64xf32, #tpu.memory_space<vmem>>
        %gather3A_379 = tpu.vector_load_idx %gather3A_378[%add3A_56] : memref<64xf32, #tpu.memory_space<vmem>>[vector<16xi32>], vector<16xf32>,
        %gather3A_380 = tpu.memref_slice %arg5[%add3A_377] : memref<32832xf32, #tpu.memory_space<vmem>> -> memref<64xf32, #tpu.memory_space<vmem>>
        %gather3A_381 = tpu.vector_load_idx %gather3A_380[%add3A_62] : memref<64xf32, #tpu.memory_space<vmem>>[vector<16xi32>], vector<16xf32>,
        %gather3A_382 = tpu.memref_slice %arg5[%add3A_377] : memref<32832xf32, #tpu.memory_space<vmem>> -> memref<64xf32, #tpu.memory_space<vmem>>
        %gather3A_383 = tpu.vector_load_idx %gather3A_382[%add3A_68] : memref<64xf32, #tpu.memory_space<vmem>>[vector<16xi32>], vector<16xf32>,
        %gather3A_384 = tpu.memref_slice %arg5[%add3A_377] : memref<32832xf32, #tpu.memory_space<vmem>> -> memref<64xf32, #tpu.memory_space<vmem>>
        %gather3A_385 = tpu.vector_load_idx %gather3A_384[%add3A_74] : memref<64xf32, #tpu.memory_space<vmem>>[vector<16xi32>], vector<16xf32>,
        %max3A_386 = arith.maximumf %gather3A_360, %gather3A_362 : vector<16xf32>
        %max3A_387 = arith.maximumf %gather3A_364, %gather3A_366 : vector<16xf32>
        %max3A_388 = arith.maximumf %max3A_386, %max3A_387 : vector<16xf32>
        %mul3A_389 = arith.constant 128 : i32
        %mul3A_390 = arith.muli %scan3A_276, %mul3A_389 : i32
        %add3A_391 = arith.constant 80 : i32
        %add3A_392 = arith.addi %mul3A_390, %add3A_391 : i32
        %swap3A_393 = arith.index_cast %add3A_392 : i32 to index
        %swap3A_394 = tpu.vector_load %arg8[%swap3A_393] {strides = array<i32>} : memref<8192xf32, #tpu.memory_space<vmem>>, vector<16xf32>,
        tpu.vector_store %arg8[%swap3A_393], %max3A_388 {strides = array<i32>} : memref<8192xf32, #tpu.memory_space<vmem>>, vector<16xf32>,
        %add3A_395 = arith.constant 448 : i32
        %add3A_396 = arith.addi %mul3A_282, %add3A_395 : i32
        %gather3A_397 = tpu.memref_slice %arg5[%add3A_396] : memref<32832xf32, #tpu.memory_space<vmem>> -> memref<64xf32, #tpu.memory_space<vmem>>
        %gather3A_398 = tpu.vector_load_idx %gather3A_397[%add3A_56] : memref<64xf32, #tpu.memory_space<vmem>>[vector<16xi32>], vector<16xf32>,
        %gather3A_399 = tpu.memref_slice %arg5[%add3A_396] : memref<32832xf32, #tpu.memory_space<vmem>> -> memref<64xf32, #tpu.memory_space<vmem>>
        %gather3A_400 = tpu.vector_load_idx %gather3A_399[%add3A_62] : memref<64xf32, #tpu.memory_space<vmem>>[vector<16xi32>], vector<16xf32>,
        %gather3A_401 = tpu.memref_slice %arg5[%add3A_396] : memref<32832xf32, #tpu.memory_space<vmem>> -> memref<64xf32, #tpu.memory_space<vmem>>
        %gather3A_402 = tpu.vector_load_idx %gather3A_401[%add3A_68] : memref<64xf32, #tpu.memory_space<vmem>>[vector<16xi32>], vector<16xf32>,
        %gather3A_403 = tpu.memref_slice %arg5[%add3A_396] : memref<32832xf32, #tpu.memory_space<vmem>> -> memref<64xf32, #tpu.memory_space<vmem>>
        %gather3A_404 = tpu.vector_load_idx %gather3A_403[%add3A_74] : memref<64xf32, #tpu.memory_space<vmem>>[vector<16xi32>], vector<16xf32>,
        %max3A_405 = arith.maximumf %gather3A_379, %gather3A_381 : vector<16xf32>
        %max3A_406 = arith.maximumf %gather3A_383, %gather3A_385 : vector<16xf32>
        %max3A_407 = arith.maximumf %max3A_405, %max3A_406 : vector<16xf32>
        %mul3A_408 = arith.constant 128 : i32
        %mul3A_409 = arith.muli %scan3A_276, %mul3A_408 : i32
        %add3A_410 = arith.constant 96 : i32
        %add3A_411 = arith.addi %mul3A_409, %add3A_410 : i32
        %swap3A_412 = arith.index_cast %add3A_411 : i32 to index
        %swap3A_413 = tpu.vector_load %arg8[%swap3A_412] {strides = array<i32>} : memref<8192xf32, #tpu.memory_space<vmem>>, vector<16xf32>,
        tpu.vector_store %arg8[%swap3A_412], %max3A_407 {strides = array<i32>} : memref<8192xf32, #tpu.memory_space<vmem>>, vector<16xf32>,
        %add3A_414 = arith.constant 512 : i32
        %add3A_415 = arith.addi %mul3A_282, %add3A_414 : i32
        %gather3A_416 = tpu.memref_slice %arg5[%add3A_415] : memref<32832xf32, #tpu.memory_space<vmem>> -> memref<64xf32, #tpu.memory_space<vmem>>
        %gather3A_417 = tpu.vector_load_idx %gather3A_416[%add3A_56] : memref<64xf32, #tpu.memory_space<vmem>>[vector<16xi32>], vector<16xf32>,
        %gather3A_418 = tpu.memref_slice %arg5[%add3A_415] : memref<32832xf32, #tpu.memory_space<vmem>> -> memref<64xf32, #tpu.memory_space<vmem>>
        %gather3A_419 = tpu.vector_load_idx %gather3A_418[%add3A_62] : memref<64xf32, #tpu.memory_space<vmem>>[vector<16xi32>], vector<16xf32>,
        %gather3A_420 = tpu.memref_slice %arg5[%add3A_415] : memref<32832xf32, #tpu.memory_space<vmem>> -> memref<64xf32, #tpu.memory_space<vmem>>
        %gather3A_421 = tpu.vector_load_idx %gather3A_420[%add3A_68] : memref<64xf32, #tpu.memory_space<vmem>>[vector<16xi32>], vector<16xf32>,
        %gather3A_422 = tpu.memref_slice %arg5[%add3A_415] : memref<32832xf32, #tpu.memory_space<vmem>> -> memref<64xf32, #tpu.memory_space<vmem>>
        %gather3A_423 = tpu.vector_load_idx %gather3A_422[%add3A_74] : memref<64xf32, #tpu.memory_space<vmem>>[vector<16xi32>], vector<16xf32>,
        %max3A_424 = arith.maximumf %gather3A_398, %gather3A_400 : vector<16xf32>
        %max3A_425 = arith.maximumf %gather3A_402, %gather3A_404 : vector<16xf32>
        %max3A_426 = arith.maximumf %max3A_424, %max3A_425 : vector<16xf32>
        %mul3A_427 = arith.constant 128 : i32
        %mul3A_428 = arith.muli %scan3A_276, %mul3A_427 : i32
        %add3A_429 = arith.constant 112 : i32
        %add3A_430 = arith.addi %mul3A_428, %add3A_429 : i32
        %swap3A_431 = arith.index_cast %add3A_430 : i32 to index
        %swap3A_432 = tpu.vector_load %arg8[%swap3A_431] {strides = array<i32>} : memref<8192xf32, #tpu.memory_space<vmem>>, vector<16xf32>,
        tpu.vector_store %arg8[%swap3A_431], %max3A_426 {strides = array<i32>} : memref<8192xf32, #tpu.memory_space<vmem>>, vector<16xf32>,
        scf.yield %gather3A_417, %gather3A_419, %gather3A_421, %gather3A_423 : vector<16xf32>, vector<16xf32>, vector<16xf32>, vector<16xf32>
      }
      %scan3A_213 = arith.constant 64 : i32
      %lt3A_214 = arith.constant 7 : i32
      %lt3A_215 = arith.cmpi slt, %scan3A_129, %lt3A_214 : i32
      %convert_element_type3A_216 = arith.extui %lt3A_215 : i1 to i32
      %cond3A_217 = arith.constant 0 : i32
      %cond3A_218 = arith.cmpi ne, %convert_element_type3A_216, %cond3A_217 : i32
      scf.if %cond3A_218 {
        %add3A_276 = arith.constant 3 : i32
        %add3A_277 = arith.addi %add3A_179, %add3A_276 : i32
        %mul3A_278 = arith.constant 32768 : i32
        %mul3A_279 = arith.muli %add3A_277, %mul3A_278 : i32
        %add3A_280 = arith.addi %mul3A_32, %mul3A_279 : i32
        %dma_start3A_281 = arith.constant 0 : i32
        %dma_start3A_282 = tpu.memref_slice %arg5[%dma_start3A_281] : memref<32832xf32, #tpu.memory_space<vmem>> -> memref<32768xf32, #tpu.memory_space<vmem>>
        %dma_start3A_283 = tpu.memref_slice %arg2[%select_n3A, %add3A_280] : memref<8x3145728xf32, #tpu.memory_space<hbm>> -> memref<1x32768xf32, #tpu.memory_space<hbm>>
        %dma_start3A_284 = tpu.memref_squeeze %dma_start3A_283 : memref<1x32768xf32, #tpu.memory_space<hbm>> -> memref<32768xf32, #tpu.memory_space<hbm>>
        %dma_start3A_285 = arith.constant 0 : i32
        %dma_start3A_286 = tpu.memref_slice %arg5[%dma_start3A_285] : memref<32832xf32, #tpu.memory_space<vmem>> -> memref<32768xf32, #tpu.memory_space<vmem>>
        %dma_start3A_287 = tpu.memref_slice %arg2[%select_n3A, %add3A_280] : memref<8x3145728xf32, #tpu.memory_space<hbm>> -> memref<1x32768xf32, #tpu.memory_space<hbm>>
        %dma_start3A_288 = tpu.memref_squeeze %dma_start3A_287 : memref<1x32768xf32, #tpu.memory_space<hbm>> -> memref<32768xf32, #tpu.memory_space<hbm>>
        tpu.enqueue_dma source(%dma_start3A_288 : memref<32768xf32, #tpu.memory_space<hbm>>) target(%dma_start3A_286 : memref<32768xf32, #tpu.memory_space<vmem>>) target_semaphore(%arg11 : memref<!tpu.dma_semaphore, #tpu.memory_space<semaphore_mem>>)
      } else {
      }
      %mul3A_219 = arith.constant 8192 : i32
      %mul3A_220 = arith.muli %add3A_179, %mul3A_219 : i32
      %add3A_221 = arith.addi %mul3A_50, %mul3A_220 : i32
      %dma_start3A_222 = tpu.memref_slice %arg3[%select_n3A, %add3A_221] : memref<8x786432xf32, #tpu.memory_space<hbm>> -> memref<1x8192xf32, #tpu.memory_space<hbm>>
      %dma_start3A_223 = tpu.memref_squeeze %dma_start3A_222 : memref<1x8192xf32, #tpu.memory_space<hbm>> -> memref<8192xf32, #tpu.memory_space<hbm>>
      %dma_start3A_224 = tpu.memref_slice %arg3[%select_n3A, %add3A_221] : memref<8x786432xf32, #tpu.memory_space<hbm>> -> memref<1x8192xf32, #tpu.memory_space<hbm>>
      %dma_start3A_225 = tpu.memref_squeeze %dma_start3A_224 : memref<1x8192xf32, #tpu.memory_space<hbm>> -> memref<8192xf32, #tpu.memory_space<hbm>>
      tpu.enqueue_dma source(%arg8 : memref<8192xf32, #tpu.memory_space<vmem>>) target(%dma_start3A_225 : memref<8192xf32, #tpu.memory_space<hbm>>) target_semaphore(%arg14 : memref<!tpu.dma_semaphore, #tpu.memory_space<semaphore_mem>>)
      %mul3A_226 = arith.constant 3 : i32
      %mul3A_227 = arith.muli %scan3A_129, %mul3A_226 : i32
      %add3A_228 = arith.constant 2 : i32
      %add3A_229 = arith.addi %mul3A_227, %add3A_228 : i32
      %dma_wait3A_230 = arith.constant 0 : i32
      %dma_wait3A_231 = arith.constant 0 : i32
      %dma_wait3A_232 = tpu.memref_slice %arg6[%dma_wait3A_231] : memref<32832xf32, #tpu.memory_space<vmem>> -> memref<32768xf32, #tpu.memory_space<vmem>>
      %dma_wait3A_233 = arith.constant 0 : i32
      %dma_wait3A_234 = tpu.memref_slice %arg2[%dma_wait3A_230, %dma_wait3A_233] : memref<8x3145728xf32, #tpu.memory_space<hbm>> -> memref<1x32768xf32, #tpu.memory_space<hbm>>
      %dma_wait3A_235 = tpu.memref_squeeze %dma_wait3A_234 : memref<1x32768xf32, #tpu.memory_space<hbm>> -> memref<32768xf32, #tpu.memory_space<hbm>>
      %dma_wait3A_236 = arith.constant 0 : i32
      %dma_wait3A_237 = tpu.memref_slice %arg6[%dma_wait3A_236] : memref<32832xf32, #tpu.memory_space<vmem>> -> memref<32768xf32, #tpu.memory_space<vmem>>
      %dma_wait3A_238 = arith.constant 0 : i32
      %dma_wait3A_239 = tpu.memref_slice %arg2[%dma_wait3A_230, %dma_wait3A_238] : memref<8x3145728xf32, #tpu.memory_space<hbm>> -> memref<1x32768xf32, #tpu.memory_space<hbm>>
      %dma_wait3A_240 = tpu.memref_squeeze %dma_wait3A_239 : memref<1x32768xf32, #tpu.memory_space<hbm>> -> memref<32768xf32, #tpu.memory_space<hbm>>
      tpu.wait_dma2 semaphore(%arg12 : memref<!tpu.dma_semaphore, #tpu.memory_space<semaphore_mem>>) src(%dma_wait3A_240 : memref<32768xf32, #tpu.memory_space<hbm>>) dst(%dma_wait3A_237 : memref<32768xf32, #tpu.memory_space<vmem>>)
      %gt3A_241 = arith.constant 0 : i32
      %gt3A_242 = arith.cmpi sgt, %scan3A_129, %gt3A_241 : i32
      %convert_element_type3A_243 = arith.extui %gt3A_242 : i1 to i32
      %cond3A_244 = arith.constant 0 : i32
      %cond3A_245 = arith.cmpi ne, %convert_element_type3A_243, %cond3A_244 : i32
      scf.if %cond3A_245 {
        %dma_wait3A_276 = arith.constant 0 : i32
        %dma_wait3A_277 = arith.constant 0 : i32
        %dma_wait3A_278 = tpu.memref_slice %arg3[%dma_wait3A_276, %dma_wait3A_277] : memref<8x786432xf32, #tpu.memory_space<hbm>> -> memref<1x8192xf32, #tpu.memory_space<hbm>>
        %dma_wait3A_279 = tpu.memref_squeeze %dma_wait3A_278 : memref<1x8192xf32, #tpu.memory_space<hbm>> -> memref<8192xf32, #tpu.memory_space<hbm>>
        %dma_wait3A_280 = arith.constant 0 : i32
        %dma_wait3A_281 = tpu.memref_slice %arg3[%dma_wait3A_276, %dma_wait3A_280] : memref<8x786432xf32, #tpu.memory_space<hbm>> -> memref<1x8192xf32, #tpu.memory_space<hbm>>
        %dma_wait3A_282 = tpu.memref_squeeze %dma_wait3A_281 : memref<1x8192xf32, #tpu.memory_space<hbm>> -> memref<8192xf32, #tpu.memory_space<hbm>>
        tpu.wait_dma2 semaphore(%arg15 : memref<!tpu.dma_semaphore, #tpu.memory_space<semaphore_mem>>) src(%arg9 : memref<8192xf32, #tpu.memory_space<vmem>>) dst(%dma_wait3A_282 : memref<8192xf32, #tpu.memory_space<hbm>>)
      } else {
      }
      %gather3A_246 = arith.constant 0 : i32
      %gather3A_247 = tpu.memref_slice %arg6[%gather3A_246] : memref<32832xf32, #tpu.memory_space<vmem>> -> memref<64xf32, #tpu.memory_space<vmem>>
      %gather3A_248 = tpu.vector_load_idx %gather3A_247[%add3A_56] : memref<64xf32, #tpu.memory_space<vmem>>[vector<16xi32>], vector<16xf32>,
      %gather3A_249 = arith.constant 0 : i32
      %gather3A_250 = tpu.memref_slice %arg6[%gather3A_249] : memref<32832xf32, #tpu.memory_space<vmem>> -> memref<64xf32, #tpu.memory_space<vmem>>
      %gather3A_251 = tpu.vector_load_idx %gather3A_250[%add3A_62] : memref<64xf32, #tpu.memory_space<vmem>>[vector<16xi32>], vector<16xf32>,
      %gather3A_252 = arith.constant 0 : i32
      %gather3A_253 = tpu.memref_slice %arg6[%gather3A_252] : memref<32832xf32, #tpu.memory_space<vmem>> -> memref<64xf32, #tpu.memory_space<vmem>>
      %gather3A_254 = tpu.vector_load_idx %gather3A_253[%add3A_68] : memref<64xf32, #tpu.memory_space<vmem>>[vector<16xi32>], vector<16xf32>,
      %gather3A_255 = arith.constant 0 : i32
      %gather3A_256 = tpu.memref_slice %arg6[%gather3A_255] : memref<32832xf32, #tpu.memory_space<vmem>> -> memref<64xf32, #tpu.memory_space<vmem>>
      %gather3A_257 = tpu.vector_load_idx %gather3A_256[%add3A_74] : memref<64xf32, #tpu.memory_space<vmem>>[vector<16xi32>], vector<16xf32>,
      %scan3A_258 = arith.constant 0 : i32
      %scan3A_259 = arith.constant 64 : i32
      %scan3A_260 = arith.addi %scan3A_258, %scan3A_259 : i32
      %scan3A_261 = arith.constant 1 : i32
      %scan3A_262:4 = scf.for %scan3A_276 = %scan3A_258 to %scan3A_260 step %scan3A_261 iter_args(%scan3A_277 = %gather3A_248, %scan3A_278 = %gather3A_251, %scan3A_279 = %gather3A_254, %scan3A_280 = %gather3A_257) -> (vector<16xf32>, vector<16xf32>, vector<16xf32>, vector<16xf32>)  : i32 {
        %mul3A_281 = arith.constant 512 : i32
        %mul3A_282 = arith.muli %scan3A_276, %mul3A_281 : i32
        %add3A_283 = arith.constant 64 : i32
        %add3A_284 = arith.addi %mul3A_282, %add3A_283 : i32
        %gather3A_285 = tpu.memref_slice %arg6[%add3A_284] : memref<32832xf32, #tpu.memory_space<vmem>> -> memref<64xf32, #tpu.memory_space<vmem>>
        %gather3A_286 = tpu.vector_load_idx %gather3A_285[%add3A_56] : memref<64xf32, #tpu.memory_space<vmem>>[vector<16xi32>], vector<16xf32>,
        %gather3A_287 = tpu.memref_slice %arg6[%add3A_284] : memref<32832xf32, #tpu.memory_space<vmem>> -> memref<64xf32, #tpu.memory_space<vmem>>
        %gather3A_288 = tpu.vector_load_idx %gather3A_287[%add3A_62] : memref<64xf32, #tpu.memory_space<vmem>>[vector<16xi32>], vector<16xf32>,
        %gather3A_289 = tpu.memref_slice %arg6[%add3A_284] : memref<32832xf32, #tpu.memory_space<vmem>> -> memref<64xf32, #tpu.memory_space<vmem>>
        %gather3A_290 = tpu.vector_load_idx %gather3A_289[%add3A_68] : memref<64xf32, #tpu.memory_space<vmem>>[vector<16xi32>], vector<16xf32>,
        %gather3A_291 = tpu.memref_slice %arg6[%add3A_284] : memref<32832xf32, #tpu.memory_space<vmem>> -> memref<64xf32, #tpu.memory_space<vmem>>
        %gather3A_292 = tpu.vector_load_idx %gather3A_291[%add3A_74] : memref<64xf32, #tpu.memory_space<vmem>>[vector<16xi32>], vector<16xf32>,
        %max3A = arith.maximumf %scan3A_277, %scan3A_278 : vector<16xf32>
        %max3A_293 = arith.maximumf %scan3A_279, %scan3A_280 : vector<16xf32>
        %max3A_294 = arith.maximumf %max3A, %max3A_293 : vector<16xf32>
        %mul3A_295 = arith.constant 128 : i32
        %mul3A_296 = arith.muli %scan3A_276, %mul3A_295 : i32
        %add3A_297 = arith.constant 0 : i32
        %add3A_298 = arith.addi %mul3A_296, %add3A_297 : i32
        %swap3A = arith.index_cast %add3A_298 : i32 to index
        %swap3A_299 = tpu.vector_load %arg9[%swap3A] {strides = array<i32>} : memref<8192xf32, #tpu.memory_space<vmem>>, vector<16xf32>,
        tpu.vector_store %arg9[%swap3A], %max3A_294 {strides = array<i32>} : memref<8192xf32, #tpu.memory_space<vmem>>, vector<16xf32>,
        %add3A_300 = arith.constant 128 : i32
        %add3A_301 = arith.addi %mul3A_282, %add3A_300 : i32
        %gather3A_302 = tpu.memref_slice %arg6[%add3A_301] : memref<32832xf32, #tpu.memory_space<vmem>> -> memref<64xf32, #tpu.memory_space<vmem>>
        %gather3A_303 = tpu.vector_load_idx %gather3A_302[%add3A_56] : memref<64xf32, #tpu.memory_space<vmem>>[vector<16xi32>], vector<16xf32>,
        %gather3A_304 = tpu.memref_slice %arg6[%add3A_301] : memref<32832xf32, #tpu.memory_space<vmem>> -> memref<64xf32, #tpu.memory_space<vmem>>
        %gather3A_305 = tpu.vector_load_idx %gather3A_304[%add3A_62] : memref<64xf32, #tpu.memory_space<vmem>>[vector<16xi32>], vector<16xf32>,
        %gather3A_306 = tpu.memref_slice %arg6[%add3A_301] : memref<32832xf32, #tpu.memory_space<vmem>> -> memref<64xf32, #tpu.memory_space<vmem>>
        %gather3A_307 = tpu.vector_load_idx %gather3A_306[%add3A_68] : memref<64xf32, #tpu.memory_space<vmem>>[vector<16xi32>], vector<16xf32>,
        %gather3A_308 = tpu.memref_slice %arg6[%add3A_301] : memref<32832xf32, #tpu.memory_space<vmem>> -> memref<64xf32, #tpu.memory_space<vmem>>
        %gather3A_309 = tpu.vector_load_idx %gather3A_308[%add3A_74] : memref<64xf32, #tpu.memory_space<vmem>>[vector<16xi32>], vector<16xf32>,
        %max3A_310 = arith.maximumf %gather3A_286, %gather3A_288 : vector<16xf32>
        %max3A_311 = arith.maximumf %gather3A_290, %gather3A_292 : vector<16xf32>
        %max3A_312 = arith.maximumf %max3A_310, %max3A_311 : vector<16xf32>
        %mul3A_313 = arith.constant 128 : i32
        %mul3A_314 = arith.muli %scan3A_276, %mul3A_313 : i32
        %add3A_315 = arith.constant 16 : i32
        %add3A_316 = arith.addi %mul3A_314, %add3A_315 : i32
        %swap3A_317 = arith.index_cast %add3A_316 : i32 to index
        %swap3A_318 = tpu.vector_load %arg9[%swap3A_317] {strides = array<i32>} : memref<8192xf32, #tpu.memory_space<vmem>>, vector<16xf32>,
        tpu.vector_store %arg9[%swap3A_317], %max3A_312 {strides = array<i32>} : memref<8192xf32, #tpu.memory_space<vmem>>, vector<16xf32>,
        %add3A_319 = arith.constant 192 : i32
        %add3A_320 = arith.addi %mul3A_282, %add3A_319 : i32
        %gather3A_321 = tpu.memref_slice %arg6[%add3A_320] : memref<32832xf32, #tpu.memory_space<vmem>> -> memref<64xf32, #tpu.memory_space<vmem>>
        %gather3A_322 = tpu.vector_load_idx %gather3A_321[%add3A_56] : memref<64xf32, #tpu.memory_space<vmem>>[vector<16xi32>], vector<16xf32>,
        %gather3A_323 = tpu.memref_slice %arg6[%add3A_320] : memref<32832xf32, #tpu.memory_space<vmem>> -> memref<64xf32, #tpu.memory_space<vmem>>
        %gather3A_324 = tpu.vector_load_idx %gather3A_323[%add3A_62] : memref<64xf32, #tpu.memory_space<vmem>>[vector<16xi32>], vector<16xf32>,
        %gather3A_325 = tpu.memref_slice %arg6[%add3A_320] : memref<32832xf32, #tpu.memory_space<vmem>> -> memref<64xf32, #tpu.memory_space<vmem>>
        %gather3A_326 = tpu.vector_load_idx %gather3A_325[%add3A_68] : memref<64xf32, #tpu.memory_space<vmem>>[vector<16xi32>], vector<16xf32>,
        %gather3A_327 = tpu.memref_slice %arg6[%add3A_320] : memref<32832xf32, #tpu.memory_space<vmem>> -> memref<64xf32, #tpu.memory_space<vmem>>
        %gather3A_328 = tpu.vector_load_idx %gather3A_327[%add3A_74] : memref<64xf32, #tpu.memory_space<vmem>>[vector<16xi32>], vector<16xf32>,
        %max3A_329 = arith.maximumf %gather3A_303, %gather3A_305 : vector<16xf32>
        %max3A_330 = arith.maximumf %gather3A_307, %gather3A_309 : vector<16xf32>
        %max3A_331 = arith.maximumf %max3A_329, %max3A_330 : vector<16xf32>
        %mul3A_332 = arith.constant 128 : i32
        %mul3A_333 = arith.muli %scan3A_276, %mul3A_332 : i32
        %add3A_334 = arith.constant 32 : i32
        %add3A_335 = arith.addi %mul3A_333, %add3A_334 : i32
        %swap3A_336 = arith.index_cast %add3A_335 : i32 to index
        %swap3A_337 = tpu.vector_load %arg9[%swap3A_336] {strides = array<i32>} : memref<8192xf32, #tpu.memory_space<vmem>>, vector<16xf32>,
        tpu.vector_store %arg9[%swap3A_336], %max3A_331 {strides = array<i32>} : memref<8192xf32, #tpu.memory_space<vmem>>, vector<16xf32>,
        %add3A_338 = arith.constant 256 : i32
        %add3A_339 = arith.addi %mul3A_282, %add3A_338 : i32
        %gather3A_340 = tpu.memref_slice %arg6[%add3A_339] : memref<32832xf32, #tpu.memory_space<vmem>> -> memref<64xf32, #tpu.memory_space<vmem>>
        %gather3A_341 = tpu.vector_load_idx %gather3A_340[%add3A_56] : memref<64xf32, #tpu.memory_space<vmem>>[vector<16xi32>], vector<16xf32>,
        %gather3A_342 = tpu.memref_slice %arg6[%add3A_339] : memref<32832xf32, #tpu.memory_space<vmem>> -> memref<64xf32, #tpu.memory_space<vmem>>
        %gather3A_343 = tpu.vector_load_idx %gather3A_342[%add3A_62] : memref<64xf32, #tpu.memory_space<vmem>>[vector<16xi32>], vector<16xf32>,
        %gather3A_344 = tpu.memref_slice %arg6[%add3A_339] : memref<32832xf32, #tpu.memory_space<vmem>> -> memref<64xf32, #tpu.memory_space<vmem>>
        %gather3A_345 = tpu.vector_load_idx %gather3A_344[%add3A_68] : memref<64xf32, #tpu.memory_space<vmem>>[vector<16xi32>], vector<16xf32>,
        %gather3A_346 = tpu.memref_slice %arg6[%add3A_339] : memref<32832xf32, #tpu.memory_space<vmem>> -> memref<64xf32, #tpu.memory_space<vmem>>
        %gather3A_347 = tpu.vector_load_idx %gather3A_346[%add3A_74] : memref<64xf32, #tpu.memory_space<vmem>>[vector<16xi32>], vector<16xf32>,
        %max3A_348 = arith.maximumf %gather3A_322, %gather3A_324 : vector<16xf32>
        %max3A_349 = arith.maximumf %gather3A_326, %gather3A_328 : vector<16xf32>
        %max3A_350 = arith.maximumf %max3A_348, %max3A_349 : vector<16xf32>
        %mul3A_351 = arith.constant 128 : i32
        %mul3A_352 = arith.muli %scan3A_276, %mul3A_351 : i32
        %add3A_353 = arith.constant 48 : i32
        %add3A_354 = arith.addi %mul3A_352, %add3A_353 : i32
        %swap3A_355 = arith.index_cast %add3A_354 : i32 to index
        %swap3A_356 = tpu.vector_load %arg9[%swap3A_355] {strides = array<i32>} : memref<8192xf32, #tpu.memory_space<vmem>>, vector<16xf32>,
        tpu.vector_store %arg9[%swap3A_355], %max3A_350 {strides = array<i32>} : memref<8192xf32, #tpu.memory_space<vmem>>, vector<16xf32>,
        %add3A_357 = arith.constant 320 : i32
        %add3A_358 = arith.addi %mul3A_282, %add3A_357 : i32
        %gather3A_359 = tpu.memref_slice %arg6[%add3A_358] : memref<32832xf32, #tpu.memory_space<vmem>> -> memref<64xf32, #tpu.memory_space<vmem>>
        %gather3A_360 = tpu.vector_load_idx %gather3A_359[%add3A_56] : memref<64xf32, #tpu.memory_space<vmem>>[vector<16xi32>], vector<16xf32>,
        %gather3A_361 = tpu.memref_slice %arg6[%add3A_358] : memref<32832xf32, #tpu.memory_space<vmem>> -> memref<64xf32, #tpu.memory_space<vmem>>
        %gather3A_362 = tpu.vector_load_idx %gather3A_361[%add3A_62] : memref<64xf32, #tpu.memory_space<vmem>>[vector<16xi32>], vector<16xf32>,
        %gather3A_363 = tpu.memref_slice %arg6[%add3A_358] : memref<32832xf32, #tpu.memory_space<vmem>> -> memref<64xf32, #tpu.memory_space<vmem>>
        %gather3A_364 = tpu.vector_load_idx %gather3A_363[%add3A_68] : memref<64xf32, #tpu.memory_space<vmem>>[vector<16xi32>], vector<16xf32>,
        %gather3A_365 = tpu.memref_slice %arg6[%add3A_358] : memref<32832xf32, #tpu.memory_space<vmem>> -> memref<64xf32, #tpu.memory_space<vmem>>
        %gather3A_366 = tpu.vector_load_idx %gather3A_365[%add3A_74] : memref<64xf32, #tpu.memory_space<vmem>>[vector<16xi32>], vector<16xf32>,
        %max3A_367 = arith.maximumf %gather3A_341, %gather3A_343 : vector<16xf32>
        %max3A_368 = arith.maximumf %gather3A_345, %gather3A_347 : vector<16xf32>
        %max3A_369 = arith.maximumf %max3A_367, %max3A_368 : vector<16xf32>
        %mul3A_370 = arith.constant 128 : i32
        %mul3A_371 = arith.muli %scan3A_276, %mul3A_370 : i32
        %add3A_372 = arith.constant 64 : i32
        %add3A_373 = arith.addi %mul3A_371, %add3A_372 : i32
        %swap3A_374 = arith.index_cast %add3A_373 : i32 to index
        %swap3A_375 = tpu.vector_load %arg9[%swap3A_374] {strides = array<i32>} : memref<8192xf32, #tpu.memory_space<vmem>>, vector<16xf32>,
        tpu.vector_store %arg9[%swap3A_374], %max3A_369 {strides = array<i32>} : memref<8192xf32, #tpu.memory_space<vmem>>, vector<16xf32>,
        %add3A_376 = arith.constant 384 : i32
        %add3A_377 = arith.addi %mul3A_282, %add3A_376 : i32
        %gather3A_378 = tpu.memref_slice %arg6[%add3A_377] : memref<32832xf32, #tpu.memory_space<vmem>> -> memref<64xf32, #tpu.memory_space<vmem>>
        %gather3A_379 = tpu.vector_load_idx %gather3A_378[%add3A_56] : memref<64xf32, #tpu.memory_space<vmem>>[vector<16xi32>], vector<16xf32>,
        %gather3A_380 = tpu.memref_slice %arg6[%add3A_377] : memref<32832xf32, #tpu.memory_space<vmem>> -> memref<64xf32, #tpu.memory_space<vmem>>
        %gather3A_381 = tpu.vector_load_idx %gather3A_380[%add3A_62] : memref<64xf32, #tpu.memory_space<vmem>>[vector<16xi32>], vector<16xf32>,
        %gather3A_382 = tpu.memref_slice %arg6[%add3A_377] : memref<32832xf32, #tpu.memory_space<vmem>> -> memref<64xf32, #tpu.memory_space<vmem>>
        %gather3A_383 = tpu.vector_load_idx %gather3A_382[%add3A_68] : memref<64xf32, #tpu.memory_space<vmem>>[vector<16xi32>], vector<16xf32>,
        %gather3A_384 = tpu.memref_slice %arg6[%add3A_377] : memref<32832xf32, #tpu.memory_space<vmem>> -> memref<64xf32, #tpu.memory_space<vmem>>
        %gather3A_385 = tpu.vector_load_idx %gather3A_384[%add3A_74] : memref<64xf32, #tpu.memory_space<vmem>>[vector<16xi32>], vector<16xf32>,
        %max3A_386 = arith.maximumf %gather3A_360, %gather3A_362 : vector<16xf32>
        %max3A_387 = arith.maximumf %gather3A_364, %gather3A_366 : vector<16xf32>
        %max3A_388 = arith.maximumf %max3A_386, %max3A_387 : vector<16xf32>
        %mul3A_389 = arith.constant 128 : i32
        %mul3A_390 = arith.muli %scan3A_276, %mul3A_389 : i32
        %add3A_391 = arith.constant 80 : i32
        %add3A_392 = arith.addi %mul3A_390, %add3A_391 : i32
        %swap3A_393 = arith.index_cast %add3A_392 : i32 to index
        %swap3A_394 = tpu.vector_load %arg9[%swap3A_393] {strides = array<i32>} : memref<8192xf32, #tpu.memory_space<vmem>>, vector<16xf32>,
        tpu.vector_store %arg9[%swap3A_393], %max3A_388 {strides = array<i32>} : memref<8192xf32, #tpu.memory_space<vmem>>, vector<16xf32>,
        %add3A_395 = arith.constant 448 : i32
        %add3A_396 = arith.addi %mul3A_282, %add3A_395 : i32
        %gather3A_397 = tpu.memref_slice %arg6[%add3A_396] : memref<32832xf32, #tpu.memory_space<vmem>> -> memref<64xf32, #tpu.memory_space<vmem>>
        %gather3A_398 = tpu.vector_load_idx %gather3A_397[%add3A_56] : memref<64xf32, #tpu.memory_space<vmem>>[vector<16xi32>], vector<16xf32>,
        %gather3A_399 = tpu.memref_slice %arg6[%add3A_396] : memref<32832xf32, #tpu.memory_space<vmem>> -> memref<64xf32, #tpu.memory_space<vmem>>
        %gather3A_400 = tpu.vector_load_idx %gather3A_399[%add3A_62] : memref<64xf32, #tpu.memory_space<vmem>>[vector<16xi32>], vector<16xf32>,
        %gather3A_401 = tpu.memref_slice %arg6[%add3A_396] : memref<32832xf32, #tpu.memory_space<vmem>> -> memref<64xf32, #tpu.memory_space<vmem>>
        %gather3A_402 = tpu.vector_load_idx %gather3A_401[%add3A_68] : memref<64xf32, #tpu.memory_space<vmem>>[vector<16xi32>], vector<16xf32>,
        %gather3A_403 = tpu.memref_slice %arg6[%add3A_396] : memref<32832xf32, #tpu.memory_space<vmem>> -> memref<64xf32, #tpu.memory_space<vmem>>
        %gather3A_404 = tpu.vector_load_idx %gather3A_403[%add3A_74] : memref<64xf32, #tpu.memory_space<vmem>>[vector<16xi32>], vector<16xf32>,
        %max3A_405 = arith.maximumf %gather3A_379, %gather3A_381 : vector<16xf32>
        %max3A_406 = arith.maximumf %gather3A_383, %gather3A_385 : vector<16xf32>
        %max3A_407 = arith.maximumf %max3A_405, %max3A_406 : vector<16xf32>
        %mul3A_408 = arith.constant 128 : i32
        %mul3A_409 = arith.muli %scan3A_276, %mul3A_408 : i32
        %add3A_410 = arith.constant 96 : i32
        %add3A_411 = arith.addi %mul3A_409, %add3A_410 : i32
        %swap3A_412 = arith.index_cast %add3A_411 : i32 to index
        %swap3A_413 = tpu.vector_load %arg9[%swap3A_412] {strides = array<i32>} : memref<8192xf32, #tpu.memory_space<vmem>>, vector<16xf32>,
        tpu.vector_store %arg9[%swap3A_412], %max3A_407 {strides = array<i32>} : memref<8192xf32, #tpu.memory_space<vmem>>, vector<16xf32>,
        %add3A_414 = arith.constant 512 : i32
        %add3A_415 = arith.addi %mul3A_282, %add3A_414 : i32
        %gather3A_416 = tpu.memref_slice %arg6[%add3A_415] : memref<32832xf32, #tpu.memory_space<vmem>> -> memref<64xf32, #tpu.memory_space<vmem>>
        %gather3A_417 = tpu.vector_load_idx %gather3A_416[%add3A_56] : memref<64xf32, #tpu.memory_space<vmem>>[vector<16xi32>], vector<16xf32>,
        %gather3A_418 = tpu.memref_slice %arg6[%add3A_415] : memref<32832xf32, #tpu.memory_space<vmem>> -> memref<64xf32, #tpu.memory_space<vmem>>
        %gather3A_419 = tpu.vector_load_idx %gather3A_418[%add3A_62] : memref<64xf32, #tpu.memory_space<vmem>>[vector<16xi32>], vector<16xf32>,
        %gather3A_420 = tpu.memref_slice %arg6[%add3A_415] : memref<32832xf32, #tpu.memory_space<vmem>> -> memref<64xf32, #tpu.memory_space<vmem>>
        %gather3A_421 = tpu.vector_load_idx %gather3A_420[%add3A_68] : memref<64xf32, #tpu.memory_space<vmem>>[vector<16xi32>], vector<16xf32>,
        %gather3A_422 = tpu.memref_slice %arg6[%add3A_415] : memref<32832xf32, #tpu.memory_space<vmem>> -> memref<64xf32, #tpu.memory_space<vmem>>
        %gather3A_423 = tpu.vector_load_idx %gather3A_422[%add3A_74] : memref<64xf32, #tpu.memory_space<vmem>>[vector<16xi32>], vector<16xf32>,
        %max3A_424 = arith.maximumf %gather3A_398, %gather3A_400 : vector<16xf32>
        %max3A_425 = arith.maximumf %gather3A_402, %gather3A_404 : vector<16xf32>
        %max3A_426 = arith.maximumf %max3A_424, %max3A_425 : vector<16xf32>
        %mul3A_427 = arith.constant 128 : i32
        %mul3A_428 = arith.muli %scan3A_276, %mul3A_427 : i32
        %add3A_429 = arith.constant 112 : i32
        %add3A_430 = arith.addi %mul3A_428, %add3A_429 : i32
        %swap3A_431 = arith.index_cast %add3A_430 : i32 to index
        %swap3A_432 = tpu.vector_load %arg9[%swap3A_431] {strides = array<i32>} : memref<8192xf32, #tpu.memory_space<vmem>>, vector<16xf32>,
        tpu.vector_store %arg9[%swap3A_431], %max3A_426 {strides = array<i32>} : memref<8192xf32, #tpu.memory_space<vmem>>, vector<16xf32>,
        scf.yield %gather3A_417, %gather3A_419, %gather3A_421, %gather3A_423 : vector<16xf32>, vector<16xf32>, vector<16xf32>, vector<16xf32>
      }
      %scan3A_263 = arith.constant 64 : i32
      %lt3A_264 = arith.constant 7 : i32
      %lt3A_265 = arith.cmpi slt, %scan3A_129, %lt3A_264 : i32
      %convert_element_type3A_266 = arith.extui %lt3A_265 : i1 to i32
      %cond3A_267 = arith.constant 0 : i32
      %cond3A_268 = arith.cmpi ne, %convert_element_type3A_266, %cond3A_267 : i32
      scf.if %cond3A_268 {
        %add3A_276 = arith.constant 3 : i32
        %add3A_277 = arith.addi %add3A_229, %add3A_276 : i32
        %mul3A_278 = arith.constant 32768 : i32
        %mul3A_279 = arith.muli %add3A_277, %mul3A_278 : i32
        %add3A_280 = arith.addi %mul3A_32, %mul3A_279 : i32
        %dma_start3A_281 = arith.constant 0 : i32
        %dma_start3A_282 = tpu.memref_slice %arg6[%dma_start3A_281] : memref<32832xf32, #tpu.memory_space<vmem>> -> memref<32768xf32, #tpu.memory_space<vmem>>
        %dma_start3A_283 = tpu.memref_slice %arg2[%select_n3A, %add3A_280] : memref<8x3145728xf32, #tpu.memory_space<hbm>> -> memref<1x32768xf32, #tpu.memory_space<hbm>>
        %dma_start3A_284 = tpu.memref_squeeze %dma_start3A_283 : memref<1x32768xf32, #tpu.memory_space<hbm>> -> memref<32768xf32, #tpu.memory_space<hbm>>
        %dma_start3A_285 = arith.constant 0 : i32
        %dma_start3A_286 = tpu.memref_slice %arg6[%dma_start3A_285] : memref<32832xf32, #tpu.memory_space<vmem>> -> memref<32768xf32, #tpu.memory_space<vmem>>
        %dma_start3A_287 = tpu.memref_slice %arg2[%select_n3A, %add3A_280] : memref<8x3145728xf32, #tpu.memory_space<hbm>> -> memref<1x32768xf32, #tpu.memory_space<hbm>>
        %dma_start3A_288 = tpu.memref_squeeze %dma_start3A_287 : memref<1x32768xf32, #tpu.memory_space<hbm>> -> memref<32768xf32, #tpu.memory_space<hbm>>
        tpu.enqueue_dma source(%dma_start3A_288 : memref<32768xf32, #tpu.memory_space<hbm>>) target(%dma_start3A_286 : memref<32768xf32, #tpu.memory_space<vmem>>) target_semaphore(%arg12 : memref<!tpu.dma_semaphore, #tpu.memory_space<semaphore_mem>>)
      } else {
      }
      %mul3A_269 = arith.constant 8192 : i32
      %mul3A_270 = arith.muli %add3A_229, %mul3A_269 : i32
      %add3A_271 = arith.addi %mul3A_50, %mul3A_270 : i32
      %dma_start3A_272 = tpu.memref_slice %arg3[%select_n3A, %add3A_271] : memref<8x786432xf32, #tpu.memory_space<hbm>> -> memref<1x8192xf32, #tpu.memory_space<hbm>>
      %dma_start3A_273 = tpu.memref_squeeze %dma_start3A_272 : memref<1x8192xf32, #tpu.memory_space<hbm>> -> memref<8192xf32, #tpu.memory_space<hbm>>
      %dma_start3A_274 = tpu.memref_slice %arg3[%select_n3A, %add3A_271] : memref<8x786432xf32, #tpu.memory_space<hbm>> -> memref<1x8192xf32, #tpu.memory_space<hbm>>
      %dma_start3A_275 = tpu.memref_squeeze %dma_start3A_274 : memref<1x8192xf32, #tpu.memory_space<hbm>> -> memref<8192xf32, #tpu.memory_space<hbm>>
      tpu.enqueue_dma source(%arg9 : memref<8192xf32, #tpu.memory_space<vmem>>) target(%dma_start3A_275 : memref<8192xf32, #tpu.memory_space<hbm>>) target_semaphore(%arg15 : memref<!tpu.dma_semaphore, #tpu.memory_space<semaphore_mem>>)
    }
    %scan3A_108 = arith.constant 8 : i32
    %dma_wait3A = arith.constant 0 : i32
    %dma_wait3A_109 = arith.constant 0 : i32
    %dma_wait3A_110 = tpu.memref_slice %arg3[%dma_wait3A, %dma_wait3A_109] : memref<8x786432xf32, #tpu.memory_space<hbm>> -> memref<1x8192xf32, #tpu.memory_space<hbm>>
    %dma_wait3A_111 = tpu.memref_squeeze %dma_wait3A_110 : memref<1x8192xf32, #tpu.memory_space<hbm>> -> memref<8192xf32, #tpu.memory_space<hbm>>
    %dma_wait3A_112 = arith.constant 0 : i32
    %dma_wait3A_113 = tpu.memref_slice %arg3[%dma_wait3A, %dma_wait3A_112] : memref<8x786432xf32, #tpu.memory_space<hbm>> -> memref<1x8192xf32, #tpu.memory_space<hbm>>
    %dma_wait3A_114 = tpu.memref_squeeze %dma_wait3A_113 : memref<1x8192xf32, #tpu.memory_space<hbm>> -> memref<8192xf32, #tpu.memory_space<hbm>>
    tpu.wait_dma2 semaphore(%arg13 : memref<!tpu.dma_semaphore, #tpu.memory_space<semaphore_mem>>) src(%arg7 : memref<8192xf32, #tpu.memory_space<vmem>>) dst(%dma_wait3A_114 : memref<8192xf32, #tpu.memory_space<hbm>>)
    %dma_wait3A_115 = arith.constant 0 : i32
    %dma_wait3A_116 = arith.constant 0 : i32
    %dma_wait3A_117 = tpu.memref_slice %arg3[%dma_wait3A_115, %dma_wait3A_116] : memref<8x786432xf32, #tpu.memory_space<hbm>> -> memref<1x8192xf32, #tpu.memory_space<hbm>>
    %dma_wait3A_118 = tpu.memref_squeeze %dma_wait3A_117 : memref<1x8192xf32, #tpu.memory_space<hbm>> -> memref<8192xf32, #tpu.memory_space<hbm>>
    %dma_wait3A_119 = arith.constant 0 : i32
    %dma_wait3A_120 = tpu.memref_slice %arg3[%dma_wait3A_115, %dma_wait3A_119] : memref<8x786432xf32, #tpu.memory_space<hbm>> -> memref<1x8192xf32, #tpu.memory_space<hbm>>
    %dma_wait3A_121 = tpu.memref_squeeze %dma_wait3A_120 : memref<1x8192xf32, #tpu.memory_space<hbm>> -> memref<8192xf32, #tpu.memory_space<hbm>>
    tpu.wait_dma2 semaphore(%arg14 : memref<!tpu.dma_semaphore, #tpu.memory_space<semaphore_mem>>) src(%arg8 : memref<8192xf32, #tpu.memory_space<vmem>>) dst(%dma_wait3A_121 : memref<8192xf32, #tpu.memory_space<hbm>>)
    %dma_wait3A_122 = arith.constant 0 : i32
    %dma_wait3A_123 = arith.constant 0 : i32
    %dma_wait3A_124 = tpu.memref_slice %arg3[%dma_wait3A_122, %dma_wait3A_123] : memref<8x786432xf32, #tpu.memory_space<hbm>> -> memref<1x8192xf32, #tpu.memory_space<hbm>>
    %dma_wait3A_125 = tpu.memref_squeeze %dma_wait3A_124 : memref<1x8192xf32, #tpu.memory_space<hbm>> -> memref<8192xf32, #tpu.memory_space<hbm>>
    %dma_wait3A_126 = arith.constant 0 : i32
    %dma_wait3A_127 = tpu.memref_slice %arg3[%dma_wait3A_122, %dma_wait3A_126] : memref<8x786432xf32, #tpu.memory_space<hbm>> -> memref<1x8192xf32, #tpu.memory_space<hbm>>
    %dma_wait3A_128 = tpu.memref_squeeze %dma_wait3A_127 : memref<1x8192xf32, #tpu.memory_space<hbm>> -> memref<8192xf32, #tpu.memory_space<hbm>>
    tpu.wait_dma2 semaphore(%arg15 : memref<!tpu.dma_semaphore, #tpu.memory_space<semaphore_mem>>) src(%arg9 : memref<8192xf32, #tpu.memory_space<vmem>>) dst(%dma_wait3A_128 : memref<8192xf32, #tpu.memory_space<hbm>>)
    return
  }
}

</mosaic_0001>

<sc_bundles>
// kernel: kernel.3.cloned.1.call-start
scs
__scs_entry_jumppad:
0x0: {  	(pc) =	sbr.rel $0x88, $3  }
0x1: {  	(tag) =	ssettag $0x0;
	lr =	simm.s32 $0x1  }
0x2: {  	[smem:$0x3FA0] =	sst lr;
	_ =	strace $0xD0000000  }
0x3: {  	_ = 	snop  }
0x4: {  	_ = 	snop  }
0x5: {  	_ = 	snop  }
0x6: {  	_ = 	snop  }
0x7: {  	_ = 	snop  }
__scs_overlays_trampoline_lowered:
0x8: {  	[smem:$0x3FAF] =	sst s0  }
0x9: {  	[smem:$0x3FB0] =	sst s1  }
0xa: {  	[smem:$0x3FB1] =	sst s2  }
0xb: {  	[smem:$0x3FB2] =	sst s3  }
0xc: {  	[smem:$0x3FB3] =	sst s4  }
0xd: {  	[smem:$0x3FB4] =	sst s5  }
0xe: {  	[smem:$0x3FB5] =	sst s6  }
0xf: {  	[smem:$0x3FB6] =	sst s7  }
0x10: {  	[smem:$0x3FB7] =	sst s8  }
0x11: {  	[smem:$0x3FB8] =	sst s9;
	s0 =	simm.s32 @!p0 $0x0  }
0x12: {  	s1 =	sld [smem:$0x3F9E];
	s0 =	simm.s32 @p0 $0x1  }
0x13: {  	[smem:$0x3FB9] =	sst s0;
	s0 =	simm.s32 @!p1 $0x0  }
0x14: {  	s2 =	sld [smem:$0x3F9D];
	s0 =	simm.s32 @p1 $0x1  }
0x15: {  	[smem:$0x3FBA] =	sst s0;
	s0 =	simm.s32 @!p2 $0x0  }
0x16: {  	s3 =	sld [smem:$0x3FDB];
	s0 =	simm.s32 @p2 $0x1  }
0x17: {  	s4 =	simm.s32 $0x1BF5;
	[smem:$0x3FBC] =	sst s0  }
0x18: {  	s0 =	sld [smem:$0x3F9F];
	_ =	swait.ge [sflag:s4], $0x0  }
0x19: {  	s7 =	sld [smem:$0x3FA0]  }
0x1a: {  	s8 =	sadd.s32 $0xFFFFE003, lr  }
0x1b: {  	s9 =	sadd.s32 $0xFFFFFEF7, lr;
	s5 =	simm.s32 $0xFFFFFFFF;
	p2 =	slt.u32 s8, $0xFFFFF086  }
0x1c: {  	p1 =	slt.u32 s9, $0xF7A;
	s5 =	simm.s32 @!p2 $0x0  }
0x1d: {  	s5 =	simm.s32 @p1 $0x1;
	p0 =	seq.s32 s7, s2  }
0x1e: {  	s7 =	smul.u32 @!p0 $0xF7A, s2;
	p2 =	seq.s32 @!p0 s5, $0x0  }
0x1f: {  	s9 =	smul.u32 $0xF7A, s1;
	s8 =	simm.s32 @!p0 $0x1BF5;
	p2 =	por !p2, p0  }
0x20: {  	[sflag:s8] =	ssyncset.s32 @!p0 $0xFFFFF086;
	s6 =	sadd.s32 @!p0 s3, s7;
	s7 =	simm.s32 @!p0 $0x108  }
0x21: {  	s3 =	sadd.s32 s3, s9;
	s6 =	sadd.s32 @!p0 $0x88, s6;
	s7 =	simm.s32 @p2 $0x1082  }
0x22: {  	[simem:s7], [sflag:s8] =	dma.local @!p0 [hbm:s6], $0xF7A  }
0x23: {  	s9 =	sor.u32 $0xD0000000, s2;
	s6 =	simm.s32 $0x108;
	_ =	swait.ge @!p0 [sflag:s8], $0x0  }
0x24: {  	s3 =	sadd.s32 $0x88, s3;
	s6 =	simm.s32 @!p1 $0x1082;
	[sflag:s4] =	ssyncset.s32 $0xFFFFF086  }
0x25: {  	[simem:s6], [sflag:s4] =	dma.local [hbm:s3], $0xF7A  }
0x26: {  	[smem:$0x3FA0] =	sst s1;
	(tag) =	ssettag s2;
	_ =	strace s9  }
0x27: {  	s1 =	sld [smem:$0x3FB0]  }
0x28: {  	s2 =	sld [smem:$0x3FB1]  }
0x29: {  	s4 =	sld [smem:$0x3FB3]  }
0x2a: {  	p0 =	seq.s32 s5, $0x0;
	s5 =	sld [smem:$0x3FB4]  }
0x2b: {  	s6 =	sld [smem:$0x3FB5]  }
0x2c: {  	s7 =	sld [smem:$0x3FB6]  }
0x2d: {  	s3 =	simm.s32 $0x108;
	s8 =	sld [smem:$0x3FB7]  }
0x2e: {  	s3 =	simm.s32 @!p0 $0x1082;
	s9 =	sld [smem:$0x3FB8]  }
0x2f: {  	lr =	sadd.s32 s0, s3;
	s0 =	sld [smem:$0x3FAF]  }
0x30: {  	s3 =	sld [smem:$0x3FB2]  }
0x31: {  	[smem:$0x3FBB] =	sst s10  }
0x32: {  	s10 =	sld [smem:$0x3FB9];
	_ =	sdelay $0x3  }
0x33: {  	p0 =	seq.s32 s10, $0x1;
	s10 =	sld [smem:$0x3FBB];
	_ =	sdelay $0x3  }
0x34: {  	[smem:$0x3FBB] =	sst s10  }
0x35: {  	s10 =	sld [smem:$0x3FBA];
	_ =	sdelay $0x3  }
0x36: {  	p1 =	seq.s32 s10, $0x1;
	s10 =	sld [smem:$0x3FBB];
	_ =	sdelay $0x3  }
0x37: {  	[smem:$0x3FBB] =	sst s10  }
0x38: {  	s10 =	sld [smem:$0x3FBC]  }
0x39: {  	_ = 	snop;
	(pc) =	sbr.ind lr, $3  }
0x3a: {  	_ = 	snop  }
0x3b: {  	_ = 	snop  }
0x3c: {  	p2 =	seq.s32 s10, $0x1;
	s10 =	sld [smem:$0x3FBB]  }
0x3d: {  	_ =	shalt  }
0x3e: {  	_ =	shalt  }
0x3f: {  	_ =	shalt  }
0x40: {  	_ =	shalt  }
0x41: {  	_ =	shalt  }
0x42: {  	_ =	shalt  }
0x43: {  	_ =	shalt  }
0x44: {  	_ =	shalt  }
0x45: {  	_ =	shalt  }
0x46: {  	_ =	shalt  }
0x47: {  	_ =	shalt  }
0x48: {  	_ =	shalt  }
0x49: {  	_ =	shalt  }
0x4a: {  	_ =	shalt  }
0x4b: {  	_ =	shalt  }
0x4c: {  	_ =	shalt  }
0x4d: {  	_ =	shalt  }
0x4e: {  	_ =	shalt  }
0x4f: {  	_ =	shalt  }
0x50: {  	_ =	shalt  }
0x51: {  	_ =	shalt  }
0x52: {  	_ =	shalt  }
0x53: {  	_ =	shalt  }
0x54: {  	_ =	shalt  }
0x55: {  	_ =	shalt  }
0x56: {  	_ =	shalt  }
0x57: {  	_ =	shalt  }
0x58: {  	_ =	shalt  }
0x59: {  	_ =	shalt  }
0x5a: {  	_ =	shalt  }
0x5b: {  	_ =	shalt  }
0x5c: {  	_ =	shalt  }
0x5d: {  	_ =	shalt  }
0x5e: {  	_ =	shalt  }
0x5f: {  	_ =	shalt  }
0x60: {  	_ =	shalt  }
0x61: {  	_ =	shalt  }
0x62: {  	_ =	shalt  }
0x63: {  	_ =	shalt  }
0x64: {  	_ =	shalt  }
0x65: {  	_ =	shalt  }
0x66: {  	_ =	shalt  }
0x67: {  	_ =	shalt  }
0x68: {  	_ =	shalt  }
0x69: {  	_ =	shalt  }
0x6a: {  	_ =	shalt  }
0x6b: {  	_ =	shalt  }
0x6c: {  	_ =	shalt  }
0x6d: {  	_ =	shalt  }
0x6e: {  	_ =	shalt  }
0x6f: {  	_ =	shalt  }
0x70: {  	_ =	shalt  }
0x71: {  	_ =	shalt  }
0x72: {  	_ =	shalt  }
0x73: {  	_ =	shalt  }
0x74: {  	_ =	shalt  }
0x75: {  	_ =	shalt  }
0x76: {  	_ =	shalt  }
0x77: {  	_ =	shalt  }
0x78: {  	_ =	shalt  }
0x79: {  	_ =	shalt  }
0x7a: {  	_ =	shalt  }
0x7b: {  	_ =	shalt  }
0x7c: {  	_ =	shalt  }
0x7d: {  	_ =	shalt  }
0x7e: {  	_ =	shalt  }
0x7f: {  	_ =	shalt  }
0x80: {  	_ =	shalt  }
0x81: {  	_ =	shalt  }
0x82: {  	_ =	shalt  }
0x83: {  	_ =	shalt  }
0x84: {  	_ =	shalt  }
0x85: {  	_ =	shalt  }
0x86: {  	_ =	shalt  }
0x87: {  	_ =	shalt  }
.Lfunc_end0:
.L_simem_size_0:
called_computation_lowered:
.L_overlay_start_0:
0x88: {  	s2 =	sld [smem:$0x3FD9]  }
0x89: {  	s3 =	sld [smem:$0x3FFE];
	_ =	sdelay $0x1  }
0x8a: {  	s1 =	srdreg.scid  }
0x8b: {  	s0 =	sand.u32 $0x1, s1  }
0x8c: {  	s18 =	sshll.u32 s0, $0xA;
	s2 =	sadd.s32 s3, s2  }
0x8d: {  	s2 =	sadd.s32 s2, s18  }
0x8e: {  	[smem:$0x3FC7] =	sst s2  }
0x8f: {  	_ = 	snop  }
0x90: {  	s2 =	sld [smem:$0x3FC9]  }
0x91: {  	s19 =	sld [smem:$0x3FD0];
	(tm) =	ssettm $0x1  }
0x92: {  	s4 =	sld [smem:$0x3FFB];
	_ =	sdelay $0x3  }
0x93: {  	_ =	strace s4  }
0x94: {  	s4 =	sld [smem:$0x3FFC];
	_ =	sdelay $0x3  }
0x95: {  	_ =	strace s4  }
0x96: {  	s4 =	sld [smem:$0x3FFD];
	_ =	sdelay $0x3  }
0x97: {  	_ =	strace s4  }
0x98: {  	_ =	strace $0x8FFFFFFF  }
0x99: {  	s20 =	sld [smem:$0x3FDB];
	_ =	sdelay $0x1  }
0x9a: {  	s5 =	simm.s32 $_scs_section_size  }
0x9b: {  	s6 =	simm.s32 $_size__tile_overlayer_lowered;
	s7 =	simm.s32 $_tile_overlayer_lowered  }
0x9c: {  	s23 =	simm.s32 $0x1BFF;
	s22 =	sshll.u32 s7, $0x1;
	s4 =	sadd.s32 s5, s20  }
0x9d: {  	s8 =	simm.s32 $0x0;
	s21 =	sshll.u32 s6, $0x1;
	s6 =	sadd.s32 s22, s4  }
0x9e: {  	[timem:s8], [sflag:s23] =	dma.local [hbm:s6], s21  }
0x9f: {  	_ =	swait.ge [sflag:s23], s21  }
0xa0: {  	s5 =	ssub.s32 $0x0, s21;
	[sflag:s23] =	ssyncset.done $0x0  }
0xa1: {  	[sflag:s23] =	ssyncadd.s32 s5;
	_ =	sdelay $0x1  }
0xa2: {  	s24 =	simm.s32 $0x1B8B  }
0xa3: {  	_ =	swait.ge [sflag:s24], $0x1  }
0xa4: {  	[sflag:s24] =	ssyncset.done $0x0  }
0xa5: {  	s25 =	simm.s32 $0x1B8E;
	[sflag:s24] =	ssyncadd.s32 $0xFFFFFFFF  }
0xa6: {  	s26 =	simm.s32 $execute0_lowered;
	[smem:$0x3FD2] =	sst s25  }
0xa7: {  	s5 =	sshll.u32 s26, $0x1;
	_ =	strace $0x80000046;
	[dreg:$0x1] =	wrdreg $0xFFFFFFFF  }
0xa8: {  	s28 =	simm.s32 $_size_execute0_lowered;
	s4 =	sadd.s32 s4, s5;
	[dreg:$0x0] =	wrdreg $0x0  }
0xa9: {  	s5 =	sshll.u32 s28, $0x1;
	[dreg:$0x2] =	wrdreg s4  }
0xaa: {  	[dreg:$0x3] =	wrdreg s5  }
0xab: {  	[dreg:$0x4] =	wrdreg $0xC0  }
0xac: {  	_ =	task [dreg:s8], $0x5FFFF  }
0xad: {  	[dreg:$0x1] =	wrdreg $0xFFFFFFFF  }
0xae: {  	[dreg:$0x0] =	wrdreg $0x60  }
0xaf: {  	[dreg:$0x2] =	wrdreg s2  }
0xb0: {  	[dreg:$0x3] =	wrdreg s19  }
0xb1: {  	[dreg:$0x4] =	wrdreg $0x9  }
0xb2: {  	_ =	task.clear_ibuf [dreg:s8], $0x5FFFF;
	_ =	strace $0x90000046  }
0xb3: {  	s29 =	simm.s32 $0x9;
	_ =	strace $0x80000048  }
0xb4: {  	_ =	swait.ge [sflag:s29], $0x1  }
0xb5: {  	[sflag:s29] =	ssyncadd.s32 $0xFFFFFFFF  }
0xb6: {  	_ =	strace $0x90000048  }
0xb7: {  	_ =	sfence  }
0xb8: {  	s30 =	sld [smem:$0x0];
	_ =	sdelay $0x2  }
0xb9: {  	s31 =	sshll.u32 s1, $0xD;
	s1 =	sshrl.u32 s1, $0x2  }
0xba: {  	s3 =	sand.u32 $0x4000, s31;
	s1 =	sadd.s32 s1, s30  }
0xbb: {  	s0 =	sor.u32 s3, s0;
	s1 =	sshll.u32 s1, $0x11  }
0xbc: {  	s0 =	sor.u32 s1, s0  }
0xbd: {  	s0 =	sadd.s32 $0x8F2B, s0  }
0xbe: {  	[sflag:s0] =	ssyncadd.remote.s32 $0x1  }
0xbf: {  	_ =	sfence.sel $0xFFFF  }
0xc0: {  	[dreg:$0x0] =	wrdreg $0xFFFFFFFF;
	(pc) =	sbr.abs _section_cstart, $3  }
0xc1: {  	[dreg:$0x1] =	wrdreg $0xFFFFFFFF  }
0xc2: {  	_ =	task.clear_ibuf [dreg:s8], $0x2FFFF;
	_ =	strace $0x9FFFFFFF  }
0xc3: {  	(tm) =	ssettm $0x7FFFFFFF  }
tec
execute0_lowered:
.L_overlay_start_1:
0x0: {  	(tag) =	ssettag $0x1  }
0x1: {  	s3 =	stileid.u32;
	s0 =	rddreg [dreg:$0x0]  }
0x2: {  	s1 =	srdreg.scid;
	s6 =	rddreg [dreg:$0x1];
	s5 =	simm.s32 $0x0  }
0x3: {  	s13 =	simm.s32 $0x80;
	s14 =	simm.s32 $0x400;
	s15 =	simm.s32 $0x8080  }
0x4: {  	s16 =	simm.s32 $0x10100;
	s17 =	simm.s32 $0x1;
	s18 =	simm.s32 $0x18180  }
0x5: {  	s19 =	simm.s32 $0x2;
	s20 =	simm.s32 $0x1A180;
	s21 =	simm.s32 $0x3  }
0x6: {  	s22 =	simm.s32 $0x1C180;
	s23 =	simm.s32 $0x4;
	s2 =	sshll.u32 s3, $0x1  }
0x7: {  	s24 =	simm.s32 $0x5;
	s1 =	sand.u32 $0x1, s1;
	s2 =	sand.u32 $0x2, s2  }
0x8: {  	s25 =	simm.s32 $0x6;
	s26 =	simm.s32 $0x0;
	s2 =	sor.u32 s1, s2  }
0x9: {  	s3 =	sshll.u32 s3, $0x6;
	[smem:$0x7FF] =	sst s5;
	s4 =	smul.u32 $0x600000, s2  }
0xa: {  	s29 =	sand.u32 $0x380, s3;
	_ =	strace $0x80000047;
	s7 =	smul.u32 $0xC0000, s2  }
0xb: {  	v0 =	vlaneseq.u32;
	s1 =	ssub.s32 $0x2, s1;
	s2 =	smul.u32 $0x30000, s2;
	s3 =	sor.u32 s29, s4  }
0xc: {  	v0 =	vmul.u32 $0x4, v0;
	s8 =	sshrl.u32 s29, $0x3;
	s30 =	sshrl.u32 s1, $0x1;
	s3 =	sshrl.u32 s3, $0x3  }
0xd: {  	s1 =	ssub.s32 s1, s30;
	s2 =	sadd.s32 s2, s6;
	s3 =	sadd.s32 s0, s3  }
0xe: {  	v3 =	vor.u32 $0x3, v0;
	s12 =	smax.u32 s1, $0x1;
	s0 =	sadd.s32 s8, s0;
	s31 =	sadd.s32 $0x8000, s3  }
0xf: {  	v1 =	vor.u32 $0x1, v0;
	s5 =	sadd.s32 $0x10000, s3;
	s0 =	sadd.s32 s7, s0;
	s7 =	sadd.s32 s2, s8  }
0x10: {  	[dreg:$0x3] =	wrdreg s31;
	s6 =	sadd.s32 $0x18000, s0;
	s8 =	sadd.s32 $0x20000, s0  }
0x11: {  	v2 =	vor.u32 $0x2, v0;
	s9 =	sadd.s32 $0x2000, s7;
	s10 =	sadd.s32 $0x28000, s0;
	s11 =	sadd.s32 $0x4000, s7  }
.LBB2_1:
0x12: {  	s0 =	simm.s32 $0x0  }
0x13: {  	[tilespmem:s0], [sflag:$0x1] =	stream.strided.gather [hbm4b:s3+s13], $0x8000, s14, s13, $0x38;
	[tilespmem:$0x1E180] =	vst v63  }
0x14: {  	s31 =	rddreg [dreg:$0x3]  }
0x15: {  	[tilespmem:s15], [sflag:$0x2] =	stream.strided.gather [hbm4b:s31+s13], $0x8000, s14, s13, $0x38;
	[tilespmem:$0x1E180] =	vst v63  }
0x16: {  	s28 =	simm.s32 $0x0  }
0x17: {  	[tilespmem:s16], [sflag:$0x3] =	stream.strided.gather [hbm4b:s5+s13], $0x8000, s14, s13, $0x38;
	[tilespmem:$0x1E180] =	vst v63  }
.LBB2_2:
0x18: {  	_ =	swait.ge [sflag:s17], $0x8000  }
0x19: {  	p1 =	seq.s32 s28, $0x0;
	[sflag:s17] =	ssyncset.done $0x0  }
0x1a: {  	s0 =	simm.s32 @!p1 $0x4;
	[sflag:s17] =	ssyncadd.s32 $0xFFFF8000  }
0x1b: {  	_ =	swait.ge @!p1 [sflag:s0], $0x2000  }
0x1c: {  	[sflag:s0] =	ssyncset.done @!p1 $0x0  }
0x1d: {  	s31 =	simm.s32 $0x0;
	[sflag:s0] =	ssyncadd.s32 @!p1 $0xFFFFE000  }
0x1e: {  	v4 =	vld.idx.msk [tilespmem:v0+s31+$0x0], $0xffff  }
0x1f: {  	v5 =	vld.idx.msk [tilespmem:v1+s31+$0x0], $0xffff  }
0x20: {  	v6 =	vld.idx.msk [tilespmem:v2+s31+$0x0], $0xffff  }
0x21: {  	v7 =	vld.idx.msk [tilespmem:v3+s31+$0x0], $0xffff  }
0x22: {  	s29 =	simm.s32 $0x0  }
0x23: {  	v8 =	vld.idx.msk [tilespmem:v0+s29+$0x40], $0xffff  }
0x24: {  	v9 =	vld.idx.msk [tilespmem:v1+s29+$0x40], $0xffff  }
0x25: {  	v10 =	vld.idx.msk [tilespmem:v3+s29+$0x40], $0xffff  }
0x26: {  	v11 =	vld.idx.msk [tilespmem:v2+s29+$0x40], $0xffff;
	v4 =	vmax.f32 v4, v5;
	v5 =	vmax.f32 v6, v7  }
0x27: {  	s30 =	simm.s32 $0x181C0;
	v4 =	vmax.f32 v4, v5  }
0x28: {  	[tilespmem:s30+$0xFFFFFFC0] =	vst v4  }
0x29: {  	v4 =	vld.idx.msk [tilespmem:v0+s29+$0x80], $0xffff  }
0x2a: {  	v5 =	vld.idx.msk [tilespmem:v1+s29+$0x80], $0xffff  }
0x2b: {  	v7 =	vmax.f32 v8, v9;
	v8 =	vmax.f32 v11, v10;
	v6 =	vld.idx.msk [tilespmem:v2+s29+$0x80], $0xffff  }
0x2c: {  	v7 =	vmax.f32 v7, v8;
	v9 =	vld.idx.msk [tilespmem:v3+s29+$0x80], $0xffff  }
0x2d: {  	[tilespmem:s30+$0xFFFFFFD0] =	vst v7  }
0x2e: {  	v7 =	vld.idx.msk [tilespmem:v1+s29+$0xC0], $0xffff  }
0x2f: {  	v8 =	vld.idx.msk [tilespmem:v0+s29+$0xC0], $0xffff  }
0x30: {  	v10 =	vld.idx.msk [tilespmem:v3+s29+$0xC0], $0xffff  }
0x31: {  	v4 =	vmax.f32 v4, v5;
	v5 =	vmax.f32 v6, v9;
	v9 =	vld.idx.msk [tilespmem:v2+s29+$0xC0], $0xffff  }
0x32: {  	v4 =	vmax.f32 v4, v5  }
0x33: {  	[tilespmem:s30+$0xFFFFFFE0] =	vst v4  }
0x34: {  	v5 =	vld.idx.msk [tilespmem:v0+s29+$0x100], $0xffff  }
0x35: {  	v11 =	vld.idx.msk [tilespmem:v1+s29+$0x100], $0xffff  }
0x36: {  	v4 =	vmax.f32 v8, v7;
	v6 =	vld.idx.msk [tilespmem:v2+s29+$0x100], $0xffff;
	v8 =	vmax.f32 v9, v10  }
0x37: {  	v7 =	vld.idx.msk [tilespmem:v3+s29+$0x100], $0xffff;
	v4 =	vmax.f32 v4, v8  }
0x38: {  	[tilespmem:s30+$0xFFFFFFF0] =	vst v4  }
0x39: {  	v4 =	vld.idx.msk [tilespmem:v0+s29+$0x140], $0xffff  }
0x3a: {  	s1 =	simm.s32 $0x181C0;
	s0 =	simm.s32 $0x800;
	v8 =	vmax.f32 v5, v11;
	v5 =	vld.idx.msk [tilespmem:v2+s29+$0x140], $0xffff  }
.LBB2_3:
0x3b: {  	p0 =	sne.s32 s0, $0x1F800  }
0x3c: {  	v9 =	vld.idx.msk [tilespmem:v3+s29+$0x140], $0xffff;
	v6 =	vmax.f32 v6, v7;
	s30 =	sadd.s32 $0x80, s30;
	s2 =	smov.u32 s0;
	s0 =	sadd.s32 $0x800, s0  }
0x3d: {  	v7 =	vld.idx.msk [tilespmem:v1+s29+$0x140], $0xffff;
	v6 =	vmax.f32 v8, v6  }
0x3e: {  	[tilespmem:s1+$0x0] =	vst v6  }
0x3f: {  	v6 =	vld.idx.msk [tilespmem:v3+s29+$0x180], $0xffff  }
0x40: {  	v8 =	vld.idx.msk [tilespmem:v1+s29+$0x180], $0xffff  }
0x41: {  	v10 =	vld.idx.msk [tilespmem:v0+s29+$0x180], $0xffff  }
0x42: {  	v11 =	vld.idx.msk [tilespmem:v2+s29+$0x180], $0xffff  }
0x43: {  	v5 =	vmax.f32 v5, v9;
	v4 =	vmax.f32 v4, v7  }
0x44: {  	v4 =	vmax.f32 v4, v5  }
0x45: {  	[tilespmem:s1+$0x10] =	vst v4  }
0x46: {  	v4 =	vld.idx.msk [tilespmem:v0+s29+$0x1C0], $0xffff  }
0x47: {  	v7 =	vmax.f32 v10, v8;
	v5 =	vld.idx.msk [tilespmem:v1+s29+$0x1C0], $0xffff  }
0x48: {  	v6 =	vmax.f32 v11, v6;
	v8 =	vld.idx.msk [tilespmem:v2+s29+$0x1C0], $0xffff  }
0x49: {  	v6 =	vmax.f32 v7, v6;
	v9 =	vld.idx.msk [tilespmem:v3+s29+$0x1C0], $0xffff  }
0x4a: {  	s2 =	sshra.s32 s2, $0x2;
	[tilespmem:s1+$0x20] =	vst v6  }
0x4b: {  	v6 =	vld.idx.msk [tilespmem:v0+s29+$0x200], $0xffff  }
0x4c: {  	v7 =	vld.idx.msk [tilespmem:v1+s29+$0x200], $0xffff  }
0x4d: {  	v4 =	vmax.f32 v4, v5;
	v10 =	vld.idx.msk [tilespmem:v2+s29+$0x200], $0xffff  }
0x4e: {  	v5 =	vld.idx.msk [tilespmem:v3+s29+$0x200], $0xffff;
	s29 =	smov.u32 s2  }
0x4f: {  	v8 =	vmax.f32 v8, v9  }
0x50: {  	v4 =	vmax.f32 v4, v8  }
0x51: {  	[tilespmem:s1+$0x30] =	vst v4;
	s1 =	smov.u32 s30;
	_ =	sdelay $0x1  }
0x52: {  	v4 =	vld.idx.msk [tilespmem:v0+s29+$0x40], $0xffff  }
0x53: {  	v8 =	vld.idx.msk [tilespmem:v1+s29+$0x40], $0xffff  }
0x54: {  	v9 =	vld.idx.msk [tilespmem:v3+s29+$0x40], $0xffff  }
0x55: {  	v6 =	vmax.f32 v6, v7;
	v5 =	vmax.f32 v10, v5;
	v11 =	vld.idx.msk [tilespmem:v2+s29+$0x40], $0xffff  }
0x56: {  	v5 =	vmax.f32 v6, v5  }
0x57: {  	[tilespmem:s30+$0xFFFFFFC0] =	vst v5  }
0x58: {  	v5 =	vld.idx.msk [tilespmem:v0+s29+$0x80], $0xffff  }
0x59: {  	v6 =	vld.idx.msk [tilespmem:v1+s29+$0x80], $0xffff  }
0x5a: {  	v7 =	vld.idx.msk [tilespmem:v2+s29+$0x80], $0xffff  }
0x5b: {  	v4 =	vmax.f32 v4, v8;
	v8 =	vmax.f32 v11, v9;
	v10 =	vld.idx.msk [tilespmem:v3+s29+$0x80], $0xffff  }
0x5c: {  	v4 =	vmax.f32 v4, v8  }
0x5d: {  	[tilespmem:s30+$0xFFFFFFD0] =	vst v4  }
0x5e: {  	v4 =	vld.idx.msk [tilespmem:v1+s29+$0xC0], $0xffff  }
0x5f: {  	v5 =	vmax.f32 v5, v6;
	v8 =	vld.idx.msk [tilespmem:v0+s29+$0xC0], $0xffff  }
0x60: {  	v9 =	vld.idx.msk [tilespmem:v3+s29+$0xC0], $0xffff  }
0x61: {  	v6 =	vmax.f32 v7, v10  }
0x62: {  	v5 =	vmax.f32 v5, v6;
	v10 =	vld.idx.msk [tilespmem:v2+s29+$0xC0], $0xffff  }
0x63: {  	[tilespmem:s30+$0xFFFFFFE0] =	vst v5  }
0x64: {  	v5 =	vld.idx.msk [tilespmem:v0+s29+$0x100], $0xffff  }
0x65: {  	v4 =	vmax.f32 v8, v4;
	v11 =	vld.idx.msk [tilespmem:v1+s29+$0x100], $0xffff  }
0x66: {  	v6 =	vld.idx.msk [tilespmem:v2+s29+$0x100], $0xffff  }
0x67: {  	v7 =	vld.idx.msk [tilespmem:v3+s29+$0x100], $0xffff  }
.Ltmp0:
0x68: {  	v8 =	vmax.f32 v10, v9;
	(pc) =	sbr.rel @p0 .LBB2_3-.Ltmp0, $4  }
0x69: {  	v4 =	vmax.f32 v4, v8  }
0x6a: {  	[tilespmem:s30+$0xFFFFFFF0] =	vst v4  }
0x6b: {  	v8 =	vmax.f32 v5, v11;
	v4 =	vld.idx.msk [tilespmem:v0+s29+$0x140], $0xffff  }
0x6c: {  	v5 =	vld.idx.msk [tilespmem:v2+s29+$0x140], $0xffff  }
0x6d: {  	_ =	sdelay $0x3  }
0x6e: {  	v9 =	vld.idx.msk [tilespmem:v3+s29+$0x140], $0xffff  }
0x6f: {  	v6 =	vmax.f32 v6, v7;
	v7 =	vld.idx.msk [tilespmem:v1+s29+$0x140], $0xffff;
	_ =	sdelay $0x1  }
0x70: {  	v6 =	vmax.f32 v8, v6  }
0x71: {  	[tilespmem:s1+$0x0] =	vst v6  }
0x72: {  	v6 =	vld.idx.msk [tilespmem:v3+s29+$0x180], $0xffff  }
0x73: {  	v8 =	vld.idx.msk [tilespmem:v1+s29+$0x180], $0xffff;
	v4 =	vmax.f32 v4, v7;
	v5 =	vmax.f32 v5, v9  }
0x74: {  	v10 =	vld.idx.msk [tilespmem:v0+s29+$0x180], $0xffff;
	v4 =	vmax.f32 v4, v5  }
0x75: {  	v7 =	vld.idx.msk [tilespmem:v2+s29+$0x180], $0xffff;
	[tilespmem:s1+$0x10] =	vst v4  }
0x76: {  	v4 =	vld.idx.msk [tilespmem:v0+s29+$0x1C0], $0xffff  }
0x77: {  	v5 =	vld.idx.msk [tilespmem:v1+s29+$0x1C0], $0xffff  }
0x78: {  	v9 =	vld.idx.msk [tilespmem:v2+s29+$0x1C0], $0xffff  }
0x79: {  	v11 =	vld.idx.msk [tilespmem:v3+s29+$0x1C0], $0xffff;
	_ =	sdelay $0x3  }
0x7a: {  	p0 =	seq.s32 s28, $0x7;
	v8 =	vmax.f32 v10, v8;
	v6 =	vmax.f32 v7, v6  }
0x7b: {  	s29 =	smul.u32 @!p0 $0x18000, s28;
	v6 =	vmax.f32 v8, v6;
	v4 =	vmax.f32 v4, v5;
	v5 =	vmax.f32 v9, v11  }
0x7c: {  	s30 =	smul.u32 $0x6000, s28;
	s2 =	simm.s32 @!p0 $0x80;
	[tilespmem:s1+$0x20] =	vst v6;
	v4 =	vmax.f32 v4, v5  }
0x7d: {  	s31 =	simm.s32 @!p0 $0x0;
	s0 =	sadd.s32 @!p0 s29, s6;
	[tilespmem:s1+$0x30] =	vst v4;
	s1 =	simm.s32 @!p0 $0x400  }
0x7e: {  	[tilespmem:s31], [sflag:$0x1] =	stream.strided.gather @!p0 [hbm4b:s0+s2], $0x8000, s1, s2, $0x38;
	[tilespmem:$0x1E180] =	vst v63  }
0x7f: {  	s4 =	sadd.s32 s30, s7  }
0x80: {  	[hbm4b:s4+s13] =	stream.strided.scatter [tilespmem:s18], [sflag:$0x4], $0x2000, s14, s13, $0x38;
	[tilespmem:$0x1E180] =	vst v63  }
0x81: {  	_ =	swait.ge [sflag:s19], $0x8000  }
0x82: {  	[sflag:s19] =	ssyncset.done $0x0  }
0x83: {  	s0 =	simm.s32 @!p1 $0x5;
	[sflag:s19] =	ssyncadd.s32 $0xFFFF8000  }
0x84: {  	_ =	swait.ge @!p1 [sflag:s0], $0x2000  }
0x85: {  	[sflag:s0] =	ssyncset.done @!p1 $0x0  }
0x86: {  	[sflag:s0] =	ssyncadd.s32 @!p1 $0xFFFFE000  }
0x87: {  	v4 =	vld.idx.msk [tilespmem:v0+s15+$0x0], $0xffff  }
0x88: {  	v5 =	vld.idx.msk [tilespmem:v1+s15+$0x0], $0xffff  }
0x89: {  	v6 =	vld.idx.msk [tilespmem:v2+s15+$0x0], $0xffff  }
0x8a: {  	v7 =	vld.idx.msk [tilespmem:v3+s15+$0x0], $0xffff  }
0x8b: {  	s31 =	simm.s32 $0x0  }
0x8c: {  	v8 =	vld.idx.msk [tilespmem:v0+s31+$0x80C0], $0xffff  }
0x8d: {  	v9 =	vld.idx.msk [tilespmem:v1+s31+$0x80C0], $0xffff  }
0x8e: {  	v10 =	vld.idx.msk [tilespmem:v3+s31+$0x80C0], $0xffff  }
0x8f: {  	v11 =	vld.idx.msk [tilespmem:v2+s31+$0x80C0], $0xffff;
	v4 =	vmax.f32 v4, v5;
	v5 =	vmax.f32 v6, v7  }
0x90: {  	s1 =	simm.s32 $0x1A1C0;
	v4 =	vmax.f32 v4, v5  }
0x91: {  	[tilespmem:s1+$0xFFFFFFC0] =	vst v4  }
0x92: {  	v4 =	vld.idx.msk [tilespmem:v0+s31+$0x8100], $0xffff  }
0x93: {  	v5 =	vld.idx.msk [tilespmem:v1+s31+$0x8100], $0xffff  }
0x94: {  	v7 =	vmax.f32 v8, v9;
	v8 =	vmax.f32 v11, v10;
	v6 =	vld.idx.msk [tilespmem:v2+s31+$0x8100], $0xffff  }
0x95: {  	v7 =	vmax.f32 v7, v8;
	v9 =	vld.idx.msk [tilespmem:v3+s31+$0x8100], $0xffff  }
0x96: {  	[tilespmem:s1+$0xFFFFFFD0] =	vst v7  }
0x97: {  	v7 =	vld.idx.msk [tilespmem:v1+s31+$0x8140], $0xffff  }
0x98: {  	v8 =	vld.idx.msk [tilespmem:v0+s31+$0x8140], $0xffff  }
0x99: {  	v10 =	vld.idx.msk [tilespmem:v3+s31+$0x8140], $0xffff  }
0x9a: {  	v4 =	vmax.f32 v4, v5;
	v5 =	vmax.f32 v6, v9;
	v9 =	vld.idx.msk [tilespmem:v2+s31+$0x8140], $0xffff  }
0x9b: {  	v4 =	vmax.f32 v4, v5  }
0x9c: {  	[tilespmem:s1+$0xFFFFFFE0] =	vst v4  }
0x9d: {  	v5 =	vld.idx.msk [tilespmem:v0+s31+$0x8180], $0xffff  }
0x9e: {  	v11 =	vld.idx.msk [tilespmem:v1+s31+$0x8180], $0xffff  }
0x9f: {  	v4 =	vmax.f32 v8, v7;
	v6 =	vld.idx.msk [tilespmem:v2+s31+$0x8180], $0xffff;
	v8 =	vmax.f32 v9, v10  }
0xa0: {  	v7 =	vld.idx.msk [tilespmem:v3+s31+$0x8180], $0xffff;
	v4 =	vmax.f32 v4, v8  }
0xa1: {  	[tilespmem:s1+$0xFFFFFFF0] =	vst v4  }
0xa2: {  	v4 =	vld.idx.msk [tilespmem:v0+s31+$0x81C0], $0xffff  }
0xa3: {  	s2 =	simm.s32 $0x800;
	s0 =	simm.s32 $0x1A1C0;
	v8 =	vmax.f32 v5, v11;
	v5 =	vld.idx.msk [tilespmem:v2+s31+$0x81C0], $0xffff  }
.LBB2_5:
0xa4: {  	p2 =	sne.s32 s2, $0x1F800  }
0xa5: {  	v9 =	vld.idx.msk [tilespmem:v3+s31+$0x81C0], $0xffff;
	v6 =	vmax.f32 v6, v7;
	s1 =	sadd.s32 $0x80, s1;
	s4 =	smov.u32 s2;
	s2 =	sadd.s32 $0x800, s2  }
0xa6: {  	v7 =	vld.idx.msk [tilespmem:v1+s31+$0x81C0], $0xffff;
	v6 =	vmax.f32 v8, v6  }
0xa7: {  	[tilespmem:s0+$0x0] =	vst v6  }
0xa8: {  	v6 =	vld.idx.msk [tilespmem:v3+s31+$0x8200], $0xffff  }
0xa9: {  	v8 =	vld.idx.msk [tilespmem:v1+s31+$0x8200], $0xffff  }
0xaa: {  	v10 =	vld.idx.msk [tilespmem:v0+s31+$0x8200], $0xffff  }
0xab: {  	v11 =	vld.idx.msk [tilespmem:v2+s31+$0x8200], $0xffff  }
0xac: {  	v5 =	vmax.f32 v5, v9;
	v4 =	vmax.f32 v4, v7  }
0xad: {  	v4 =	vmax.f32 v4, v5  }
0xae: {  	[tilespmem:s0+$0x10] =	vst v4  }
0xaf: {  	v4 =	vld.idx.msk [tilespmem:v0+s31+$0x8240], $0xffff  }
0xb0: {  	v7 =	vmax.f32 v10, v8;
	v5 =	vld.idx.msk [tilespmem:v1+s31+$0x8240], $0xffff  }
0xb1: {  	v6 =	vmax.f32 v11, v6;
	v8 =	vld.idx.msk [tilespmem:v2+s31+$0x8240], $0xffff  }
0xb2: {  	v6 =	vmax.f32 v7, v6;
	v9 =	vld.idx.msk [tilespmem:v3+s31+$0x8240], $0xffff  }
0xb3: {  	s4 =	sshra.s32 s4, $0x2;
	[tilespmem:s0+$0x20] =	vst v6  }
0xb4: {  	v6 =	vld.idx.msk [tilespmem:v0+s31+$0x8280], $0xffff  }
0xb5: {  	v7 =	vld.idx.msk [tilespmem:v1+s31+$0x8280], $0xffff  }
0xb6: {  	v4 =	vmax.f32 v4, v5;
	v10 =	vld.idx.msk [tilespmem:v2+s31+$0x8280], $0xffff  }
0xb7: {  	v5 =	vld.idx.msk [tilespmem:v3+s31+$0x8280], $0xffff;
	s31 =	smov.u32 s4  }
0xb8: {  	v8 =	vmax.f32 v8, v9  }
0xb9: {  	v4 =	vmax.f32 v4, v8  }
0xba: {  	[tilespmem:s0+$0x30] =	vst v4;
	s0 =	smov.u32 s1;
	_ =	sdelay $0x1  }
0xbb: {  	v4 =	vld.idx.msk [tilespmem:v0+s31+$0x80C0], $0xffff  }
0xbc: {  	v8 =	vld.idx.msk [tilespmem:v1+s31+$0x80C0], $0xffff  }
0xbd: {  	v9 =	vld.idx.msk [tilespmem:v3+s31+$0x80C0], $0xffff  }
0xbe: {  	v6 =	vmax.f32 v6, v7;
	v5 =	vmax.f32 v10, v5;
	v11 =	vld.idx.msk [tilespmem:v2+s31+$0x80C0], $0xffff  }
0xbf: {  	v5 =	vmax.f32 v6, v5  }
0xc0: {  	[tilespmem:s1+$0xFFFFFFC0] =	vst v5  }
0xc1: {  	v5 =	vld.idx.msk [tilespmem:v0+s31+$0x8100], $0xffff  }
0xc2: {  	v6 =	vld.idx.msk [tilespmem:v1+s31+$0x8100], $0xffff  }
0xc3: {  	v7 =	vld.idx.msk [tilespmem:v2+s31+$0x8100], $0xffff  }
0xc4: {  	v4 =	vmax.f32 v4, v8;
	v8 =	vmax.f32 v11, v9;
	v10 =	vld.idx.msk [tilespmem:v3+s31+$0x8100], $0xffff  }
0xc5: {  	v4 =	vmax.f32 v4, v8  }
0xc6: {  	[tilespmem:s1+$0xFFFFFFD0] =	vst v4  }
0xc7: {  	v4 =	vld.idx.msk [tilespmem:v1+s31+$0x8140], $0xffff  }
0xc8: {  	v5 =	vmax.f32 v5, v6;
	v8 =	vld.idx.msk [tilespmem:v0+s31+$0x8140], $0xffff  }
0xc9: {  	v9 =	vld.idx.msk [tilespmem:v3+s31+$0x8140], $0xffff  }
0xca: {  	v6 =	vmax.f32 v7, v10  }
0xcb: {  	v5 =	vmax.f32 v5, v6;
	v10 =	vld.idx.msk [tilespmem:v2+s31+$0x8140], $0xffff  }
0xcc: {  	[tilespmem:s1+$0xFFFFFFE0] =	vst v5  }
0xcd: {  	v5 =	vld.idx.msk [tilespmem:v0+s31+$0x8180], $0xffff  }
0xce: {  	v4 =	vmax.f32 v8, v4;
	v11 =	vld.idx.msk [tilespmem:v1+s31+$0x8180], $0xffff  }
0xcf: {  	v6 =	vld.idx.msk [tilespmem:v2+s31+$0x8180], $0xffff  }
0xd0: {  	v7 =	vld.idx.msk [tilespmem:v3+s31+$0x8180], $0xffff  }
.Ltmp1:
0xd1: {  	v8 =	vmax.f32 v10, v9;
	(pc) =	sbr.rel @p2 .LBB2_5-.Ltmp1, $4  }
0xd2: {  	v4 =	vmax.f32 v4, v8  }
0xd3: {  	[tilespmem:s1+$0xFFFFFFF0] =	vst v4  }
0xd4: {  	v8 =	vmax.f32 v5, v11;
	v4 =	vld.idx.msk [tilespmem:v0+s31+$0x81C0], $0xffff  }
0xd5: {  	v5 =	vld.idx.msk [tilespmem:v2+s31+$0x81C0], $0xffff  }
0xd6: {  	_ =	sdelay $0x3  }
0xd7: {  	v9 =	vld.idx.msk [tilespmem:v3+s31+$0x81C0], $0xffff  }
0xd8: {  	v6 =	vmax.f32 v6, v7;
	v7 =	vld.idx.msk [tilespmem:v1+s31+$0x81C0], $0xffff;
	_ =	sdelay $0x1  }
0xd9: {  	v6 =	vmax.f32 v8, v6  }
0xda: {  	[tilespmem:s0+$0x0] =	vst v6  }
0xdb: {  	v6 =	vld.idx.msk [tilespmem:v3+s31+$0x8200], $0xffff  }
0xdc: {  	v8 =	vld.idx.msk [tilespmem:v1+s31+$0x8200], $0xffff;
	v4 =	vmax.f32 v4, v7;
	v5 =	vmax.f32 v5, v9  }
0xdd: {  	v10 =	vld.idx.msk [tilespmem:v0+s31+$0x8200], $0xffff;
	v4 =	vmax.f32 v4, v5  }
0xde: {  	v7 =	vld.idx.msk [tilespmem:v2+s31+$0x8200], $0xffff;
	[tilespmem:s0+$0x10] =	vst v4  }
0xdf: {  	v4 =	vld.idx.msk [tilespmem:v0+s31+$0x8240], $0xffff  }
0xe0: {  	v5 =	vld.idx.msk [tilespmem:v1+s31+$0x8240], $0xffff  }
0xe1: {  	v9 =	vld.idx.msk [tilespmem:v2+s31+$0x8240], $0xffff  }
0xe2: {  	v11 =	vld.idx.msk [tilespmem:v3+s31+$0x8240], $0xffff;
	_ =	sdelay $0x3  }
0xe3: {  	v8 =	vmax.f32 v10, v8;
	v6 =	vmax.f32 v7, v6  }
0xe4: {  	v6 =	vmax.f32 v8, v6;
	v4 =	vmax.f32 v4, v5;
	v5 =	vmax.f32 v9, v11  }
0xe5: {  	s1 =	sadd.s32 @!p0 s29, s8;
	[tilespmem:s0+$0x20] =	vst v6;
	v4 =	vmax.f32 v4, v5  }
0xe6: {  	s2 =	simm.s32 @!p0 $0x400;
	s4 =	simm.s32 @!p0 $0x8080;
	[tilespmem:s0+$0x30] =	vst v4;
	s0 =	simm.s32 @!p0 $0x80  }
0xe7: {  	[tilespmem:s4], [sflag:$0x2] =	stream.strided.gather @!p0 [hbm4b:s1+s0], $0x8000, s2, s0, $0x38;
	[tilespmem:$0x1E180] =	vst v63  }
0xe8: {  	s4 =	sadd.s32 s30, s9  }
0xe9: {  	[hbm4b:s4+s13] =	stream.strided.scatter [tilespmem:s20], [sflag:$0x5], $0x2000, s14, s13, $0x38;
	[tilespmem:$0x1E180] =	vst v63  }
0xea: {  	_ =	swait.ge [sflag:s21], $0x8000  }
0xeb: {  	[sflag:s21] =	ssyncset.done $0x0  }
0xec: {  	s0 =	simm.s32 @!p1 $0x6;
	[sflag:s21] =	ssyncadd.s32 $0xFFFF8000  }
0xed: {  	_ =	swait.ge @!p1 [sflag:s0], $0x2000  }
0xee: {  	[sflag:s0] =	ssyncset.done @!p1 $0x0  }
0xef: {  	[sflag:s0] =	ssyncadd.s32 @!p1 $0xFFFFE000  }
0xf0: {  	v4 =	vld.idx.msk [tilespmem:v0+s16+$0x0], $0xffff  }
0xf1: {  	v5 =	vld.idx.msk [tilespmem:v1+s16+$0x0], $0xffff  }
0xf2: {  	v6 =	vld.idx.msk [tilespmem:v2+s16+$0x0], $0xffff  }
0xf3: {  	v7 =	vld.idx.msk [tilespmem:v3+s16+$0x0], $0xffff  }
0xf4: {  	s31 =	simm.s32 $0x0  }
0xf5: {  	v8 =	vld.idx.msk [tilespmem:v0+s31+$0x10140], $0xffff  }
0xf6: {  	v9 =	vld.idx.msk [tilespmem:v1+s31+$0x10140], $0xffff  }
0xf7: {  	v10 =	vld.idx.msk [tilespmem:v3+s31+$0x10140], $0xffff  }
0xf8: {  	v11 =	vld.idx.msk [tilespmem:v2+s31+$0x10140], $0xffff;
	v4 =	vmax.f32 v4, v5;
	v5 =	vmax.f32 v6, v7  }
0xf9: {  	s1 =	simm.s32 $0x1C1C0;
	v4 =	vmax.f32 v4, v5  }
0xfa: {  	[tilespmem:s1+$0xFFFFFFC0] =	vst v4  }
0xfb: {  	v4 =	vld.idx.msk [tilespmem:v0+s31+$0x10180], $0xffff  }
0xfc: {  	v5 =	vld.idx.msk [tilespmem:v1+s31+$0x10180], $0xffff  }
0xfd: {  	v7 =	vmax.f32 v8, v9;
	v8 =	vmax.f32 v11, v10;
	v6 =	vld.idx.msk [tilespmem:v2+s31+$0x10180], $0xffff  }
0xfe: {  	v7 =	vmax.f32 v7, v8;
	v9 =	vld.idx.msk [tilespmem:v3+s31+$0x10180], $0xffff  }
0xff: {  	[tilespmem:s1+$0xFFFFFFD0] =	vst v7  }
0x100: {  	v7 =	vld.idx.msk [tilespmem:v1+s31+$0x101C0], $0xffff  }
0x101: {  	v8 =	vld.idx.msk [tilespmem:v0+s31+$0x101C0], $0xffff  }
0x102: {  	v10 =	vld.idx.msk [tilespmem:v3+s31+$0x101C0], $0xffff  }
0x103: {  	v4 =	vmax.f32 v4, v5;
	v5 =	vmax.f32 v6, v9;
	v9 =	vld.idx.msk [tilespmem:v2+s31+$0x101C0], $0xffff  }
0x104: {  	v4 =	vmax.f32 v4, v5  }
0x105: {  	[tilespmem:s1+$0xFFFFFFE0] =	vst v4  }
0x106: {  	v5 =	vld.idx.msk [tilespmem:v0+s31+$0x10200], $0xffff  }
0x107: {  	v11 =	vld.idx.msk [tilespmem:v1+s31+$0x10200], $0xffff  }
0x108: {  	v4 =	vmax.f32 v8, v7;
	v6 =	vld.idx.msk [tilespmem:v2+s31+$0x10200], $0xffff;
	v8 =	vmax.f32 v9, v10  }
0x109: {  	v7 =	vld.idx.msk [tilespmem:v3+s31+$0x10200], $0xffff;
	v4 =	vmax.f32 v4, v8  }
0x10a: {  	[tilespmem:s1+$0xFFFFFFF0] =	vst v4  }
0x10b: {  	v4 =	vld.idx.msk [tilespmem:v0+s31+$0x10240], $0xffff  }
0x10c: {  	s2 =	simm.s32 $0x800;
	s0 =	simm.s32 $0x1C1C0;
	v8 =	vmax.f32 v5, v11;
	v5 =	vld.idx.msk [tilespmem:v2+s31+$0x10240], $0xffff  }
.LBB2_7:
0x10d: {  	p1 =	sne.s32 s2, $0x1F800  }
0x10e: {  	v9 =	vld.idx.msk [tilespmem:v3+s31+$0x10240], $0xffff;
	v6 =	vmax.f32 v6, v7;
	s1 =	sadd.s32 $0x80, s1;
	s4 =	smov.u32 s2;
	s2 =	sadd.s32 $0x800, s2  }
0x10f: {  	v7 =	vld.idx.msk [tilespmem:v1+s31+$0x10240], $0xffff;
	v6 =	vmax.f32 v8, v6  }
0x110: {  	[tilespmem:s0+$0x0] =	vst v6  }
0x111: {  	v6 =	vld.idx.msk [tilespmem:v3+s31+$0x10280], $0xffff  }
0x112: {  	v8 =	vld.idx.msk [tilespmem:v1+s31+$0x10280], $0xffff  }
0x113: {  	v10 =	vld.idx.msk [tilespmem:v0+s31+$0x10280], $0xffff  }
0x114: {  	v11 =	vld.idx.msk [tilespmem:v2+s31+$0x10280], $0xffff  }
0x115: {  	v5 =	vmax.f32 v5, v9;
	v4 =	vmax.f32 v4, v7  }
0x116: {  	v4 =	vmax.f32 v4, v5  }
0x117: {  	[tilespmem:s0+$0x10] =	vst v4  }
0x118: {  	v4 =	vld.idx.msk [tilespmem:v0+s31+$0x102C0], $0xffff  }
0x119: {  	v7 =	vmax.f32 v10, v8;
	v5 =	vld.idx.msk [tilespmem:v1+s31+$0x102C0], $0xffff  }
0x11a: {  	v6 =	vmax.f32 v11, v6;
	v8 =	vld.idx.msk [tilespmem:v2+s31+$0x102C0], $0xffff  }
0x11b: {  	v6 =	vmax.f32 v7, v6;
	v9 =	vld.idx.msk [tilespmem:v3+s31+$0x102C0], $0xffff  }
0x11c: {  	s4 =	sshra.s32 s4, $0x2;
	[tilespmem:s0+$0x20] =	vst v6  }
0x11d: {  	v6 =	vld.idx.msk [tilespmem:v0+s31+$0x10300], $0xffff  }
0x11e: {  	v7 =	vld.idx.msk [tilespmem:v1+s31+$0x10300], $0xffff  }
0x11f: {  	v4 =	vmax.f32 v4, v5;
	v10 =	vld.idx.msk [tilespmem:v2+s31+$0x10300], $0xffff  }
0x120: {  	v5 =	vld.idx.msk [tilespmem:v3+s31+$0x10300], $0xffff;
	s31 =	smov.u32 s4  }
0x121: {  	v8 =	vmax.f32 v8, v9  }
0x122: {  	v4 =	vmax.f32 v4, v8  }
0x123: {  	[tilespmem:s0+$0x30] =	vst v4;
	s0 =	smov.u32 s1;
	_ =	sdelay $0x1  }
0x124: {  	v4 =	vld.idx.msk [tilespmem:v0+s31+$0x10140], $0xffff  }
0x125: {  	v8 =	vld.idx.msk [tilespmem:v1+s31+$0x10140], $0xffff  }
0x126: {  	v9 =	vld.idx.msk [tilespmem:v3+s31+$0x10140], $0xffff  }
0x127: {  	v6 =	vmax.f32 v6, v7;
	v5 =	vmax.f32 v10, v5;
	v11 =	vld.idx.msk [tilespmem:v2+s31+$0x10140], $0xffff  }
0x128: {  	v5 =	vmax.f32 v6, v5  }
0x129: {  	[tilespmem:s1+$0xFFFFFFC0] =	vst v5  }
0x12a: {  	v5 =	vld.idx.msk [tilespmem:v0+s31+$0x10180], $0xffff  }
0x12b: {  	v6 =	vld.idx.msk [tilespmem:v1+s31+$0x10180], $0xffff  }
0x12c: {  	v7 =	vld.idx.msk [tilespmem:v2+s31+$0x10180], $0xffff  }
0x12d: {  	v4 =	vmax.f32 v4, v8;
	v8 =	vmax.f32 v11, v9;
	v10 =	vld.idx.msk [tilespmem:v3+s31+$0x10180], $0xffff  }
0x12e: {  	v4 =	vmax.f32 v4, v8  }
0x12f: {  	[tilespmem:s1+$0xFFFFFFD0] =	vst v4  }
0x130: {  	v4 =	vld.idx.msk [tilespmem:v1+s31+$0x101C0], $0xffff  }
0x131: {  	v5 =	vmax.f32 v5, v6;
	v8 =	vld.idx.msk [tilespmem:v0+s31+$0x101C0], $0xffff  }
0x132: {  	v9 =	vld.idx.msk [tilespmem:v3+s31+$0x101C0], $0xffff  }
0x133: {  	v6 =	vmax.f32 v7, v10  }
0x134: {  	v5 =	vmax.f32 v5, v6;
	v10 =	vld.idx.msk [tilespmem:v2+s31+$0x101C0], $0xffff  }
0x135: {  	[tilespmem:s1+$0xFFFFFFE0] =	vst v5  }
0x136: {  	v5 =	vld.idx.msk [tilespmem:v0+s31+$0x10200], $0xffff  }
0x137: {  	v4 =	vmax.f32 v8, v4;
	v11 =	vld.idx.msk [tilespmem:v1+s31+$0x10200], $0xffff  }
0x138: {  	v6 =	vld.idx.msk [tilespmem:v2+s31+$0x10200], $0xffff  }
0x139: {  	v7 =	vld.idx.msk [tilespmem:v3+s31+$0x10200], $0xffff  }
.Ltmp2:
0x13a: {  	v8 =	vmax.f32 v10, v9;
	(pc) =	sbr.rel @p1 .LBB2_7-.Ltmp2, $4  }
0x13b: {  	v4 =	vmax.f32 v4, v8  }
0x13c: {  	[tilespmem:s1+$0xFFFFFFF0] =	vst v4  }
0x13d: {  	v8 =	vmax.f32 v5, v11;
	v4 =	vld.idx.msk [tilespmem:v0+s31+$0x10240], $0xffff  }
0x13e: {  	v5 =	vld.idx.msk [tilespmem:v2+s31+$0x10240], $0xffff  }
0x13f: {  	_ =	sdelay $0x3  }
0x140: {  	v9 =	vld.idx.msk [tilespmem:v3+s31+$0x10240], $0xffff  }
0x141: {  	v60 =	vld.idx.msk [tilespmem:v1+s31+$0x10240], $0xffff  }
0x142: {  	v6 =	vmax.f32 v6, v7  }
0x143: {  	v6 =	vmax.f32 v8, v6  }
0x144: {  	[tilespmem:s0+$0x0] =	vst v6  }
0x145: {  	v6 =	vld.idx.msk [tilespmem:v3+s31+$0x10280], $0xffff  }
0x146: {  	v61 =	vld.idx.msk [tilespmem:v1+s31+$0x10280], $0xffff;
	v4 =	vmax.f32 v4, v60;
	v5 =	vmax.f32 v5, v9  }
0x147: {  	v10 =	vld.idx.msk [tilespmem:v0+s31+$0x10280], $0xffff;
	v4 =	vmax.f32 v4, v5  }
0x148: {  	v62 =	vld.idx.msk [tilespmem:v2+s31+$0x10280], $0xffff;
	[tilespmem:s0+$0x10] =	vst v4  }
0x149: {  	v4 =	vld.idx.msk [tilespmem:v0+s31+$0x102C0], $0xffff  }
0x14a: {  	v5 =	vld.idx.msk [tilespmem:v1+s31+$0x102C0], $0xffff  }
0x14b: {  	v63 =	vld.idx.msk [tilespmem:v2+s31+$0x102C0], $0xffff  }
0x14c: {  	v11 =	vld.idx.msk [tilespmem:v3+s31+$0x102C0], $0xffff;
	_ =	sdelay $0x3  }
0x14d: {  	v8 =	vmax.f32 v10, v61;
	v6 =	vmax.f32 v62, v6  }
0x14e: {  	v6 =	vmax.f32 v8, v6;
	v4 =	vmax.f32 v4, v5;
	v5 =	vmax.f32 v63, v11  }
0x14f: {  	s1 =	sadd.s32 @!p0 s29, s10;
	s2 =	simm.s32 @!p0 $0x400;
	[tilespmem:s0+$0x20] =	vst v6;
	v4 =	vmax.f32 v4, v5  }
0x150: {  	s4 =	simm.s32 @!p0 $0x10100;
	s28 =	sadd.s32 $0x1, s28;
	[tilespmem:s0+$0x30] =	vst v4;
	s0 =	simm.s32 @!p0 $0x80  }
0x151: {  	[tilespmem:s4], [sflag:$0x3] =	stream.strided.gather @!p0 [hbm4b:s1+s0], $0x8000, s2, s0, $0x38;
	[tilespmem:$0x1E180] =	vst v63  }
0x152: {  	p0 =	sne.s32 s28, $0x8  }
.Ltmp3:
0x153: {  	_ = 	snop;
	(pc) =	sbr.rel @p0 .LBB2_2-.Ltmp3, $3  }
0x154: {  	_ =	sdelay $0x1  }
0x155: {  	s31 =	sadd.s32 s30, s11  }
0x156: {  	[hbm4b:s31+s13] =	stream.strided.scatter [tilespmem:s22], [sflag:$0x6], $0x2000, s14, s13, $0x38;
	[tilespmem:$0x1E180] =	vst v63  }
0x157: {  	_ =	swait.ge [sflag:s23], $0x2000  }
0x158: {  	[sflag:s23] =	ssyncset.done $0x0  }
0x159: {  	s26 =	sadd.s32 $0x1, s26;
	[sflag:s23] =	ssyncadd.s32 $0xFFFFE000  }
0x15a: {  	p0 =	sne.s32 s26, s12;
	_ =	swait.ge [sflag:s24], $0x2000  }
.Ltmp4:
0x15b: {  	[sflag:s24] =	ssyncset.done $0x0;
	(pc) =	sbr.rel @p0 .LBB2_1-.Ltmp4, $4  }
0x15c: {  	[sflag:s24] =	ssyncadd.s32 $0xFFFFE000  }
0x15d: {  	_ =	swait.ge [sflag:s25], $0x2000  }
0x15e: {  	[sflag:s25] =	ssyncset.done $0x0  }
0x15f: {  	[sflag:s25] =	ssyncadd.s32 $0xFFFFE000  }
0x160: {  	_ =	sfence.sel $0x180000  }
0x161: {  	[bflag:$0x0] =	sbarrier.arrive $0xFFFF  }
0x162: {  	_ =	strace $0x90000047  }
0x163: {  	s0 =	stileid.u32;
	[bflag:$0x2] =	sbarrier.arrive $0xFFFF  }
0x164: {  	p0 =	sne.s32 s0, $0x0;
	s0 =	rddreg [dreg:$0x2]  }
0x165: {  	s0 =	sadd.s32 @!p0 $0x100000, s0  }
0x166: {  	[sflag:s0] =	ssyncadd.tile.s32 @!p0 $0x1;
	_ =	shalt  }
.Lfunc_end2:
_tile_overlayer_lowered:
.L_overlay_start_2:
0x167: {  	(tag) =	ssettag $0x2  }
0x168: {  	s0 =	rddreg [dreg:$0x0];
	s2 =	stileid.u32  }
0x169: {  	s1 =	rddreg [dreg:$0x1];
	p0 =	sne.s32 s2, $0x0  }
0x16a: {  	s3 =	rddreg [dreg:$0x2];
	[bflag:$0x3] =	sbarrier.arrive $0xFFFF;
	s2 =	simm.s32 @!p0 $0x1C07  }
0x16b: {  	[timem:s3], [sflag:s2] =	dma.local @!p0 [hbm:s0], s1  }
0x16c: {  	s0 =	simm.s32 @!p0 $0x7  }
0x16d: {  	_ =	swait.ge @!p0 [sflag:s0], s1  }
0x16e: {  	s1 =	ssub.s32 @!p0 $0x0, s1;
	[sflag:s0] =	ssyncset.done @!p0 $0x0  }
0x16f: {  	[sflag:s0] =	ssyncadd.s32 @!p0 s1  }
0x170: {  	[bflag:$0x3] =	sbarrier.arrive $0xFFFF  }
0x171: {  	_ =	shalt  }

</sc_bundles>
